<compile_context>
chip_gen: v7x
topology: tpu7x:2x2x1
jax: 0.10.2.dev20260603
libtpu: 0.0.44.dev20260713+nightly
codegen_flags: <defaults>
</compile_context>

<pallas_src>
import functools

import jax
import jax.numpy as jnp
from jax import lax
from jax.experimental import pallas as pl
from jax.experimental.pallas import tpu as pltpu
from jax.experimental.pallas import tpu_sc as plsc

_VOCAB = 1000
_EMB = 128
_B = 16384
_L = 20
_EPS = 1e-5

_NC = 2
_NS = 16
_NW = _NC * _NS
_BPW = _B // _NW
_CW = 128
_CPL = _BPW // _CW
_NCHUNK = _L * _CPL
_NBUF = 6
_AHEAD = 3
_ROWS_PER_SUB = 64
_TROWS = 32
_LANES = 16
_NV = _EMB // _LANES


@functools.partial(
    pl.kernel,
    out_type=jax.ShapeDtypeStruct((_L, _B, _EMB), jnp.float32),
    mesh=plsc.VectorSubcoreMesh(core_axis_name="c", subcore_axis_name="s"),
    compiler_params=pltpu.CompilerParams(needs_layout_passes=False),
    scratch_types=[
        pltpu.VMEM((_L, _BPW), jnp.int32),
        pltpu.VMEM((_NBUF, _CW, _EMB), jnp.float32),
        pltpu.VMEM((_TROWS, _EMB), jnp.float32),
        pltpu.VMEM((_EMB,), jnp.float32),
        pltpu.VMEM((_EMB,), jnp.float32),
        pltpu.VMEM_SHARED((_VOCAB, _EMB), jnp.float32),
        pltpu.SemaphoreType.DMA((_NBUF,)),
        pltpu.SemaphoreType.DMA((_NBUF,)),
    ],
)
def _sc_embed(table_hbm, gamma_hbm, beta_hbm, idx_hbm, out_hbm,
              idx_v, bufs, tbl_v, gamma_v, beta_v, ntable_sp, gsems, wsems):
    sid = lax.axis_index("s")
    wid = sid * _NC + lax.axis_index("c")
    base = wid * _BPW

    start = lax.min(sid * _ROWS_PER_SUB, _VOCAB - _ROWS_PER_SUB)
    pltpu.sync_copy(gamma_hbm, gamma_v)
    pltpu.sync_copy(beta_hbm, beta_v)
    pltpu.sync_copy(idx_hbm.at[pl.ds(0, _L), pl.ds(wid * _BPW, _BPW)], idx_v)

    inv_emb = 1.0 / _EMB

    def ln_row(i, carry):
        x = [tbl_v[i, pl.ds(j * _LANES, _LANES)] for j in range(_NV)]
        tot = x[0]
        for j in range(1, _NV):
            tot = tot + x[j]
        mean = jnp.full((_LANES,), jnp.sum(tot)) * inv_emb
        c = [xj - mean for xj in x]
        sq = c[0] * c[0]
        for j in range(1, _NV):
            sq = sq + c[j] * c[j]
        var = jnp.full((_LANES,), jnp.sum(sq)) * inv_emb
        v = var + _EPS
        iv = lax.bitcast_convert_type(v, jnp.int32)
        y = lax.bitcast_convert_type(
            jnp.full((_LANES,), jnp.int32(0x5F3759DF)) - (iv >> 1), jnp.float32
        )
        for _ in range(4):
            y = y * (1.5 - 0.5 * v * y * y)
        for j in range(_NV):
            g = gamma_v[pl.ds(j * _LANES, _LANES)]
            b = beta_v[pl.ds(j * _LANES, _LANES)]
            tbl_v[i, pl.ds(j * _LANES, _LANES)] = c[j] * y * g + b
        return carry

    for h in range(_ROWS_PER_SUB // _TROWS):
        hs = start + h * _TROWS
        pltpu.sync_copy(table_hbm.at[pl.ds(hs, _TROWS)], tbl_v)
        lax.fori_loop(0, _TROWS, ln_row, 0)
        pltpu.sync_copy(tbl_v, ntable_sp.at[pl.ds(hs, _TROWS)])
    plsc.subcore_barrier()

    def chunk_refs(m, k):
        l = m // _CPL
        col = base + (m % _CPL) * _CW
        idx_sl = idx_v.at[l, pl.ds((m % _CPL) * _CW, _CW)]
        return ntable_sp.at[idx_sl], bufs.at[k], out_hbm.at[l, pl.ds(col, _CW)]

    def fire_gather(m, k):
        src, buf, _ = chunk_refs(m, k)
        pltpu.async_copy(src, buf, gsems.at[k])

    def drain_gather(m, k):
        src, buf, _ = chunk_refs(m, k)
        pltpu.make_async_copy(src, buf, gsems.at[k]).wait()

    def fire_write(m, k):
        _, buf, dst = chunk_refs(m, k)
        pltpu.async_copy(buf, dst, wsems.at[k])

    def wait_write(m, k):
        _, buf, dst = chunk_refs(m, k)
        pltpu.make_async_copy(buf, dst, wsems.at[k]).wait()

    for m in range(_AHEAD):
        fire_gather(m, m % _NBUF)

    def body(m, carry):
        k = m % _NBUF
        drain_gather(m, k)
        fire_write(m, k)

        nxt = m + _AHEAD
        kn = nxt % _NBUF

        @pl.when(nxt < _NCHUNK)
        def _():
            @pl.when(nxt >= _NBUF)
            def _():
                wait_write(nxt - _NBUF, kn)

            fire_gather(nxt, kn)

        return carry

    lax.fori_loop(0, _NCHUNK, body, 0)

    for t in range(_NBUF):
        m = _NCHUNK - _NBUF + t
        wait_write(m, m % _NBUF)


def kernel(indices, table, gamma, beta):
    out_lbe = _sc_embed(table, gamma, beta,
                        jnp.transpose(indices.astype(jnp.int32), (1, 0)))
    return jnp.transpose(out_lbe, (1, 0, 2))

# --- scband reference (transcript-rebuilt; emitter-appended) ---
"""Pipeline reference for scband-target-embedder-46746424050235 (READ-ONLY COPY).

The authoritative reference and input builder live on the scoring server;
editing this copy changes nothing except your own understanding.
"""

import jax, jax.numpy as jnp
import numpy as np

VOCAB = 1000
EMB = 128
B = 16384
L = 20
EPS = 1e-5


def setup_inputs(seed: int = 0) -> dict:
    key = jax.random.key(seed)
    k1, k2 = jax.random.split(key)
    # indices into the embedding table (batch of histories)
    indices = jax.random.randint(k1, (B, L), 0, 950)
    # nn.Embedding default init: N(0, 1)
    table = jax.random.normal(k2, (VOCAB, EMB), dtype=jnp.float32)
    # nn.LayerNorm default affine params
    gamma = jnp.ones((EMB,), dtype=jnp.float32)
    beta = jnp.zeros((EMB,), dtype=jnp.float32)
    return {"indices": indices, "table": table, "gamma": gamma, "beta": beta}


def reference(indices, table, gamma, beta):
    # embs = self.embedding_model(indices)
    embs = jnp.take(table, indices, axis=0)
    # embs = self.norm(embs)  (LayerNorm over last dim, eps=1e-5)
    mean = jnp.mean(embs, axis=-1, keepdims=True)
    var = jnp.mean((embs - mean) ** 2, axis=-1, keepdims=True)
    normed = (embs - mean) * jax.lax.rsqrt(var + EPS)
    return normed * gamma + beta

if __name__ == "__main__":
    import jax
    _d = setup_inputs()
    print(jax.jit(kernel)(*tuple(_d.values())))

</pallas_src>

<mosaic_0001>
#map = affine_map<(d0, d1) -> (0, 0)>
#map1 = affine_map<(d0, d1) -> (0)>
#map2 = affine_map<(d0, d1) -> (0, 0, 0)>
module attributes {stable_mosaic.version = 14 : i64} {
  func.func @_sc_embed(%arg0: i32, %arg1: i32, %arg2: memref<1000x128xf32, #tpu.memory_space<hbm>>, %arg3: memref<128xf32, #tpu.memory_space<hbm>>, %arg4: memref<128xf32, #tpu.memory_space<hbm>>, %arg5: memref<20x16384xi32, #tpu.memory_space<hbm>>, %arg6: memref<20x16384x128xf32, #tpu.memory_space<hbm>>, %arg7: memref<20x512xi32, #tpu.memory_space<vmem>>, %arg8: memref<6x128x128xf32, #tpu.memory_space<vmem>>, %arg9: memref<32x128xf32, #tpu.memory_space<vmem>>, %arg10: memref<128xf32, #tpu.memory_space<vmem>>, %arg11: memref<128xf32, #tpu.memory_space<vmem>>, %arg12: memref<1000x128xf32, #tpu.memory_space<vmem_shared>>, %arg13: memref<6x!tpu.dma_semaphore, #tpu.memory_space<semaphore_mem>>, %arg14: memref<6x!tpu.dma_semaphore, #tpu.memory_space<semaphore_mem>>) attributes {dimension_semantics = [#tpu.dimension_semantics<core_parallel>, #tpu.dimension_semantics<subcore_parallel>], iteration_bounds = array<i64: 2, 16>, scalar_prefetch = 0 : i64, scratch_operands = 8 : i64, tpu.core_type = #tpu.core_type<sc_vector_subcore>, window_params = [{transform_indices = #map}, {transform_indices = #map1}, {transform_indices = #map1}, {transform_indices = #map}, {transform_indices = #map2}]} {
    %mul3A = arith.constant 2 : i32
    %mul3A_0 = arith.muli %arg1, %mul3A : i32
    %add3A = arith.addi %mul3A_0, %arg0 : i32
    %mul3A_1 = arith.constant 512 : i32
    %mul3A_2 = arith.muli %add3A, %mul3A_1 : i32
    %mul3A_3 = arith.constant 64 : i32
    %mul3A_4 = arith.muli %arg1, %mul3A_3 : i32
    %min3A = arith.constant 936 : i32
    %min3A_5 = arith.minsi %mul3A_4, %min3A : i32
    "tpu.region"() ({
      %run_scoped3A = tpu.sem_alloc : memref<!tpu.dma_semaphore, #tpu.memory_space<semaphore_mem>>
      tpu.enqueue_dma source(%arg3 : memref<128xf32, #tpu.memory_space<hbm>>) target(%arg10 : memref<128xf32, #tpu.memory_space<vmem>>) target_semaphore(%run_scoped3A : memref<!tpu.dma_semaphore, #tpu.memory_space<semaphore_mem>>)
      tpu.wait_dma2 semaphore(%run_scoped3A : memref<!tpu.dma_semaphore, #tpu.memory_space<semaphore_mem>>) src(%arg3 : memref<128xf32, #tpu.memory_space<hbm>>) dst(%arg10 : memref<128xf32, #tpu.memory_space<vmem>>)
      tpu.yield
    }) : () -> ()
    "tpu.region"() ({
      %run_scoped3A = tpu.sem_alloc : memref<!tpu.dma_semaphore, #tpu.memory_space<semaphore_mem>>
      tpu.enqueue_dma source(%arg4 : memref<128xf32, #tpu.memory_space<hbm>>) target(%arg11 : memref<128xf32, #tpu.memory_space<vmem>>) target_semaphore(%run_scoped3A : memref<!tpu.dma_semaphore, #tpu.memory_space<semaphore_mem>>)
      tpu.wait_dma2 semaphore(%run_scoped3A : memref<!tpu.dma_semaphore, #tpu.memory_space<semaphore_mem>>) src(%arg4 : memref<128xf32, #tpu.memory_space<hbm>>) dst(%arg11 : memref<128xf32, #tpu.memory_space<vmem>>)
      tpu.yield
    }) : () -> ()
    %mul3A_6 = arith.constant 512 : i32
    %mul3A_7 = arith.muli %add3A, %mul3A_6 : i32
    "tpu.region"() ({
      %run_scoped3A = tpu.sem_alloc : memref<!tpu.dma_semaphore, #tpu.memory_space<semaphore_mem>>
      %dma_start3A_204 = arith.constant 0 : i32
      %dma_start3A_205 = tpu.memref_slice %arg5[%dma_start3A_204, %mul3A_7] : memref<20x16384xi32, #tpu.memory_space<hbm>> -> memref<20x512xi32, #tpu.memory_space<hbm>>
      %dma_start3A_206 = arith.constant 0 : i32
      %dma_start3A_207 = tpu.memref_slice %arg5[%dma_start3A_206, %mul3A_7] : memref<20x16384xi32, #tpu.memory_space<hbm>> -> memref<20x512xi32, #tpu.memory_space<hbm>>
      tpu.enqueue_dma source(%dma_start3A_207 : memref<20x512xi32, #tpu.memory_space<hbm>>) target(%arg7 : memref<20x512xi32, #tpu.memory_space<vmem>>) target_semaphore(%run_scoped3A : memref<!tpu.dma_semaphore, #tpu.memory_space<semaphore_mem>>)
      %dma_wait3A_208 = arith.constant 0 : i32
      %dma_wait3A_209 = tpu.memref_slice %arg5[%dma_wait3A_208, %mul3A_7] : memref<20x16384xi32, #tpu.memory_space<hbm>> -> memref<20x512xi32, #tpu.memory_space<hbm>>
      %dma_wait3A_210 = arith.constant 0 : i32
      %dma_wait3A_211 = tpu.memref_slice %arg5[%dma_wait3A_210, %mul3A_7] : memref<20x16384xi32, #tpu.memory_space<hbm>> -> memref<20x512xi32, #tpu.memory_space<hbm>>
      tpu.wait_dma2 semaphore(%run_scoped3A : memref<!tpu.dma_semaphore, #tpu.memory_space<semaphore_mem>>) src(%dma_wait3A_211 : memref<20x512xi32, #tpu.memory_space<hbm>>) dst(%arg7 : memref<20x512xi32, #tpu.memory_space<vmem>>)
      tpu.yield
    }) : () -> ()
    %add3A_8 = arith.constant 0 : i32
    %add3A_9 = arith.addi %min3A_5, %add3A_8 : i32
    "tpu.region"() ({
      %run_scoped3A = tpu.sem_alloc : memref<!tpu.dma_semaphore, #tpu.memory_space<semaphore_mem>>
      %dma_start3A_204 = arith.constant 0 : i32
      %dma_start3A_205 = tpu.memref_slice %arg2[%add3A_9, %dma_start3A_204] : memref<1000x128xf32, #tpu.memory_space<hbm>> -> memref<32x128xf32, #tpu.memory_space<hbm>>
      %dma_start3A_206 = arith.constant 0 : i32
      %dma_start3A_207 = tpu.memref_slice %arg2[%add3A_9, %dma_start3A_206] : memref<1000x128xf32, #tpu.memory_space<hbm>> -> memref<32x128xf32, #tpu.memory_space<hbm>>
      tpu.enqueue_dma source(%dma_start3A_207 : memref<32x128xf32, #tpu.memory_space<hbm>>) target(%arg9 : memref<32x128xf32, #tpu.memory_space<vmem>>) target_semaphore(%run_scoped3A : memref<!tpu.dma_semaphore, #tpu.memory_space<semaphore_mem>>)
      %dma_wait3A_208 = arith.constant 0 : i32
      %dma_wait3A_209 = tpu.memref_slice %arg2[%add3A_9, %dma_wait3A_208] : memref<1000x128xf32, #tpu.memory_space<hbm>> -> memref<32x128xf32, #tpu.memory_space<hbm>>
      %dma_wait3A_210 = arith.constant 0 : i32
      %dma_wait3A_211 = tpu.memref_slice %arg2[%add3A_9, %dma_wait3A_210] : memref<1000x128xf32, #tpu.memory_space<hbm>> -> memref<32x128xf32, #tpu.memory_space<hbm>>
      tpu.wait_dma2 semaphore(%run_scoped3A : memref<!tpu.dma_semaphore, #tpu.memory_space<semaphore_mem>>) src(%dma_wait3A_211 : memref<32x128xf32, #tpu.memory_space<hbm>>) dst(%arg9 : memref<32x128xf32, #tpu.memory_space<vmem>>)
      tpu.yield
    }) : () -> ()
    %scan3A = arith.constant 0 : i32
    %scan3A_10 = arith.constant 0 : i32
    %scan3A_11 = arith.constant 32 : i32
    %scan3A_12 = arith.addi %scan3A_10, %scan3A_11 : i32
    %scan3A_13 = arith.constant 1 : i32
    scf.for %scan3A_204 = %scan3A_10 to %scan3A_12 step %scan3A_13  : i32 {
      %get3A = arith.index_cast %scan3A_204 : i32 to index
      %get3A_205 = arith.constant 0 : index
      %get3A_206 = tpu.vector_load %arg9[%get3A, %get3A_205] {strides = array<i32>} : memref<32x128xf32, #tpu.memory_space<vmem>>, vector<16xf32>,
      %get3A_207 = arith.index_cast %scan3A_204 : i32 to index
      %get3A_208 = arith.constant 16 : index
      %get3A_209 = tpu.vector_load %arg9[%get3A_207, %get3A_208] {strides = array<i32>} : memref<32x128xf32, #tpu.memory_space<vmem>>, vector<16xf32>,
      %get3A_210 = arith.index_cast %scan3A_204 : i32 to index
      %get3A_211 = arith.constant 32 : index
      %get3A_212 = tpu.vector_load %arg9[%get3A_210, %get3A_211] {strides = array<i32>} : memref<32x128xf32, #tpu.memory_space<vmem>>, vector<16xf32>,
      %get3A_213 = arith.index_cast %scan3A_204 : i32 to index
      %get3A_214 = arith.constant 48 : index
      %get3A_215 = tpu.vector_load %arg9[%get3A_213, %get3A_214] {strides = array<i32>} : memref<32x128xf32, #tpu.memory_space<vmem>>, vector<16xf32>,
      %get3A_216 = arith.index_cast %scan3A_204 : i32 to index
      %get3A_217 = arith.constant 64 : index
      %get3A_218 = tpu.vector_load %arg9[%get3A_216, %get3A_217] {strides = array<i32>} : memref<32x128xf32, #tpu.memory_space<vmem>>, vector<16xf32>,
      %get3A_219 = arith.index_cast %scan3A_204 : i32 to index
      %get3A_220 = arith.constant 80 : index
      %get3A_221 = tpu.vector_load %arg9[%get3A_219, %get3A_220] {strides = array<i32>} : memref<32x128xf32, #tpu.memory_space<vmem>>, vector<16xf32>,
      %get3A_222 = arith.index_cast %scan3A_204 : i32 to index
      %get3A_223 = arith.constant 96 : index
      %get3A_224 = tpu.vector_load %arg9[%get3A_222, %get3A_223] {strides = array<i32>} : memref<32x128xf32, #tpu.memory_space<vmem>>, vector<16xf32>,
      %get3A_225 = arith.index_cast %scan3A_204 : i32 to index
      %get3A_226 = arith.constant 112 : index
      %get3A_227 = tpu.vector_load %arg9[%get3A_225, %get3A_226] {strides = array<i32>} : memref<32x128xf32, #tpu.memory_space<vmem>>, vector<16xf32>,
      %add3A_228 = arith.addf %get3A_206, %get3A_209 : vector<16xf32>
      %add3A_229 = arith.addf %add3A_228, %get3A_212 : vector<16xf32>
      %add3A_230 = arith.addf %add3A_229, %get3A_215 : vector<16xf32>
      %add3A_231 = arith.addf %add3A_230, %get3A_218 : vector<16xf32>
      %add3A_232 = arith.addf %add3A_231, %get3A_221 : vector<16xf32>
      %add3A_233 = arith.addf %add3A_232, %get3A_224 : vector<16xf32>
      %add3A_234 = arith.addf %add3A_233, %get3A_227 : vector<16xf32>
      %reduce_sum3A = arith.constant true
      %reduce_sum3A_235 = vector.broadcast %reduce_sum3A : i1 to vector<16xi1>
      %reduce_sum3A_236 = tpu.scan <sum>, %add3A_234 masked %reduce_sum3A_235 : vector<16xf32>, vector<16xi1> -> vector<16xf32>
      %reduce_sum3A_237 = vector.extract %reduce_sum3A_236[15] : f32 from vector<16xf32>
      %broadcast_in_dim3A = vector.broadcast %reduce_sum3A_237 : f32 to vector<16xf32>
      %mul3A_238 = arith.constant 7.812500e-03 : f32
      %mul3A_239 = vector.broadcast %mul3A_238 : f32 to vector<16xf32>
      %mul3A_240 = arith.mulf %broadcast_in_dim3A, %mul3A_239 : vector<16xf32>
      %sub3A = arith.subf %get3A_206, %mul3A_240 : vector<16xf32>
      %sub3A_241 = arith.subf %get3A_209, %mul3A_240 : vector<16xf32>
      %sub3A_242 = arith.subf %get3A_212, %mul3A_240 : vector<16xf32>
      %sub3A_243 = arith.subf %get3A_215, %mul3A_240 : vector<16xf32>
      %sub3A_244 = arith.subf %get3A_218, %mul3A_240 : vector<16xf32>
      %sub3A_245 = arith.subf %get3A_221, %mul3A_240 : vector<16xf32>
      %sub3A_246 = arith.subf %get3A_224, %mul3A_240 : vector<16xf32>
      %sub3A_247 = arith.subf %get3A_227, %mul3A_240 : vector<16xf32>
      %mul3A_248 = arith.mulf %sub3A, %sub3A : vector<16xf32>
      %mul3A_249 = arith.mulf %sub3A_241, %sub3A_241 : vector<16xf32>
      %add3A_250 = arith.addf %mul3A_248, %mul3A_249 : vector<16xf32>
      %mul3A_251 = arith.mulf %sub3A_242, %sub3A_242 : vector<16xf32>
      %add3A_252 = arith.addf %add3A_250, %mul3A_251 : vector<16xf32>
      %mul3A_253 = arith.mulf %sub3A_243, %sub3A_243 : vector<16xf32>
      %add3A_254 = arith.addf %add3A_252, %mul3A_253 : vector<16xf32>
      %mul3A_255 = arith.mulf %sub3A_244, %sub3A_244 : vector<16xf32>
      %add3A_256 = arith.addf %add3A_254, %mul3A_255 : vector<16xf32>
      %mul3A_257 = arith.mulf %sub3A_245, %sub3A_245 : vector<16xf32>
      %add3A_258 = arith.addf %add3A_256, %mul3A_257 : vector<16xf32>
      %mul3A_259 = arith.mulf %sub3A_246, %sub3A_246 : vector<16xf32>
      %add3A_260 = arith.addf %add3A_258, %mul3A_259 : vector<16xf32>
      %mul3A_261 = arith.mulf %sub3A_247, %sub3A_247 : vector<16xf32>
      %add3A_262 = arith.addf %add3A_260, %mul3A_261 : vector<16xf32>
      %reduce_sum3A_263 = arith.constant true
      %reduce_sum3A_264 = vector.broadcast %reduce_sum3A_263 : i1 to vector<16xi1>
      %reduce_sum3A_265 = tpu.scan <sum>, %add3A_262 masked %reduce_sum3A_264 : vector<16xf32>, vector<16xi1> -> vector<16xf32>
      %reduce_sum3A_266 = vector.extract %reduce_sum3A_265[15] : f32 from vector<16xf32>
      %broadcast_in_dim3A_267 = vector.broadcast %reduce_sum3A_266 : f32 to vector<16xf32>
      %mul3A_268 = arith.constant 7.812500e-03 : f32
      %mul3A_269 = vector.broadcast %mul3A_268 : f32 to vector<16xf32>
      %mul3A_270 = arith.mulf %broadcast_in_dim3A_267, %mul3A_269 : vector<16xf32>
      %add3A_271 = arith.constant 9.99999974E-6 : f32
      %add3A_272 = vector.broadcast %add3A_271 : f32 to vector<16xf32>
      %add3A_273 = arith.addf %mul3A_270, %add3A_272 : vector<16xf32>
      %bitcast_convert_type3A = tpu.bitcast %add3A_273 : vector<16xf32> -> vector<16xi32>
      %broadcast_in_dim3A_274 = arith.constant 1597463007 : i32
      %broadcast_in_dim3A_275 = vector.broadcast %broadcast_in_dim3A_274 : i32 to vector<16xi32>
      %shift_right_arithmetic3A = arith.constant 1 : i32
      %shift_right_arithmetic3A_276 = vector.broadcast %shift_right_arithmetic3A : i32 to vector<16xi32>
      %shift_right_arithmetic3A_277 = arith.shrsi %bitcast_convert_type3A, %shift_right_arithmetic3A_276 : vector<16xi32>
      %sub3A_278 = arith.subi %broadcast_in_dim3A_275, %shift_right_arithmetic3A_277 : vector<16xi32>
      %bitcast_convert_type3A_279 = tpu.bitcast %sub3A_278 : vector<16xi32> -> vector<16xf32>
      %mul3A_280 = arith.constant 5.000000e-01 : f32
      %mul3A_281 = vector.broadcast %mul3A_280 : f32 to vector<16xf32>
      %mul3A_282 = arith.mulf %mul3A_281, %add3A_273 : vector<16xf32>
      %mul3A_283 = arith.mulf %mul3A_282, %bitcast_convert_type3A_279 : vector<16xf32>
      %mul3A_284 = arith.mulf %mul3A_283, %bitcast_convert_type3A_279 : vector<16xf32>
      %sub3A_285 = arith.constant 1.500000e+00 : f32
      %sub3A_286 = vector.broadcast %sub3A_285 : f32 to vector<16xf32>
      %sub3A_287 = arith.subf %sub3A_286, %mul3A_284 : vector<16xf32>
      %mul3A_288 = arith.mulf %bitcast_convert_type3A_279, %sub3A_287 : vector<16xf32>
      %mul3A_289 = arith.constant 5.000000e-01 : f32
      %mul3A_290 = vector.broadcast %mul3A_289 : f32 to vector<16xf32>
      %mul3A_291 = arith.mulf %mul3A_290, %add3A_273 : vector<16xf32>
      %mul3A_292 = arith.mulf %mul3A_291, %mul3A_288 : vector<16xf32>
      %mul3A_293 = arith.mulf %mul3A_292, %mul3A_288 : vector<16xf32>
      %sub3A_294 = arith.constant 1.500000e+00 : f32
      %sub3A_295 = vector.broadcast %sub3A_294 : f32 to vector<16xf32>
      %sub3A_296 = arith.subf %sub3A_295, %mul3A_293 : vector<16xf32>
      %mul3A_297 = arith.mulf %mul3A_288, %sub3A_296 : vector<16xf32>
      %mul3A_298 = arith.constant 5.000000e-01 : f32
      %mul3A_299 = vector.broadcast %mul3A_298 : f32 to vector<16xf32>
      %mul3A_300 = arith.mulf %mul3A_299, %add3A_273 : vector<16xf32>
      %mul3A_301 = arith.mulf %mul3A_300, %mul3A_297 : vector<16xf32>
      %mul3A_302 = arith.mulf %mul3A_301, %mul3A_297 : vector<16xf32>
      %sub3A_303 = arith.constant 1.500000e+00 : f32
      %sub3A_304 = vector.broadcast %sub3A_303 : f32 to vector<16xf32>
      %sub3A_305 = arith.subf %sub3A_304, %mul3A_302 : vector<16xf32>
      %mul3A_306 = arith.mulf %mul3A_297, %sub3A_305 : vector<16xf32>
      %mul3A_307 = arith.constant 5.000000e-01 : f32
      %mul3A_308 = vector.broadcast %mul3A_307 : f32 to vector<16xf32>
      %mul3A_309 = arith.mulf %mul3A_308, %add3A_273 : vector<16xf32>
      %mul3A_310 = arith.mulf %mul3A_309, %mul3A_306 : vector<16xf32>
      %mul3A_311 = arith.mulf %mul3A_310, %mul3A_306 : vector<16xf32>
      %sub3A_312 = arith.constant 1.500000e+00 : f32
      %sub3A_313 = vector.broadcast %sub3A_312 : f32 to vector<16xf32>
      %sub3A_314 = arith.subf %sub3A_313, %mul3A_311 : vector<16xf32>
      %mul3A_315 = arith.mulf %mul3A_306, %sub3A_314 : vector<16xf32>
      %get3A_316 = arith.constant 0 : index
      %get3A_317 = tpu.vector_load %arg10[%get3A_316] {strides = array<i32>} : memref<128xf32, #tpu.memory_space<vmem>>, vector<16xf32>,
      %get3A_318 = arith.constant 0 : index
      %get3A_319 = tpu.vector_load %arg11[%get3A_318] {strides = array<i32>} : memref<128xf32, #tpu.memory_space<vmem>>, vector<16xf32>,
      %mul3A_320 = arith.mulf %sub3A, %mul3A_315 : vector<16xf32>
      %mul3A_321 = arith.mulf %mul3A_320, %get3A_317 : vector<16xf32>
      %add3A_322 = arith.addf %mul3A_321, %get3A_319 : vector<16xf32>
      %swap3A = arith.index_cast %scan3A_204 : i32 to index
      %swap3A_323 = arith.constant 0 : index
      %swap3A_324 = tpu.vector_load %arg9[%swap3A, %swap3A_323] {strides = array<i32>} : memref<32x128xf32, #tpu.memory_space<vmem>>, vector<16xf32>,
      tpu.vector_store %arg9[%swap3A, %swap3A_323], %add3A_322 {strides = array<i32>} : memref<32x128xf32, #tpu.memory_space<vmem>>, vector<16xf32>,
      %get3A_325 = arith.constant 16 : index
      %get3A_326 = tpu.vector_load %arg10[%get3A_325] {strides = array<i32>} : memref<128xf32, #tpu.memory_space<vmem>>, vector<16xf32>,
      %get3A_327 = arith.constant 16 : index
      %get3A_328 = tpu.vector_load %arg11[%get3A_327] {strides = array<i32>} : memref<128xf32, #tpu.memory_space<vmem>>, vector<16xf32>,
      %mul3A_329 = arith.mulf %sub3A_241, %mul3A_315 : vector<16xf32>
      %mul3A_330 = arith.mulf %mul3A_329, %get3A_326 : vector<16xf32>
      %add3A_331 = arith.addf %mul3A_330, %get3A_328 : vector<16xf32>
      %swap3A_332 = arith.index_cast %scan3A_204 : i32 to index
      %swap3A_333 = arith.constant 16 : index
      %swap3A_334 = tpu.vector_load %arg9[%swap3A_332, %swap3A_333] {strides = array<i32>} : memref<32x128xf32, #tpu.memory_space<vmem>>, vector<16xf32>,
      tpu.vector_store %arg9[%swap3A_332, %swap3A_333], %add3A_331 {strides = array<i32>} : memref<32x128xf32, #tpu.memory_space<vmem>>, vector<16xf32>,
      %get3A_335 = arith.constant 32 : index
      %get3A_336 = tpu.vector_load %arg10[%get3A_335] {strides = array<i32>} : memref<128xf32, #tpu.memory_space<vmem>>, vector<16xf32>,
      %get3A_337 = arith.constant 32 : index
      %get3A_338 = tpu.vector_load %arg11[%get3A_337] {strides = array<i32>} : memref<128xf32, #tpu.memory_space<vmem>>, vector<16xf32>,
      %mul3A_339 = arith.mulf %sub3A_242, %mul3A_315 : vector<16xf32>
      %mul3A_340 = arith.mulf %mul3A_339, %get3A_336 : vector<16xf32>
      %add3A_341 = arith.addf %mul3A_340, %get3A_338 : vector<16xf32>
      %swap3A_342 = arith.index_cast %scan3A_204 : i32 to index
      %swap3A_343 = arith.constant 32 : index
      %swap3A_344 = tpu.vector_load %arg9[%swap3A_342, %swap3A_343] {strides = array<i32>} : memref<32x128xf32, #tpu.memory_space<vmem>>, vector<16xf32>,
      tpu.vector_store %arg9[%swap3A_342, %swap3A_343], %add3A_341 {strides = array<i32>} : memref<32x128xf32, #tpu.memory_space<vmem>>, vector<16xf32>,
      %get3A_345 = arith.constant 48 : index
      %get3A_346 = tpu.vector_load %arg10[%get3A_345] {strides = array<i32>} : memref<128xf32, #tpu.memory_space<vmem>>, vector<16xf32>,
      %get3A_347 = arith.constant 48 : index
      %get3A_348 = tpu.vector_load %arg11[%get3A_347] {strides = array<i32>} : memref<128xf32, #tpu.memory_space<vmem>>, vector<16xf32>,
      %mul3A_349 = arith.mulf %sub3A_243, %mul3A_315 : vector<16xf32>
      %mul3A_350 = arith.mulf %mul3A_349, %get3A_346 : vector<16xf32>
      %add3A_351 = arith.addf %mul3A_350, %get3A_348 : vector<16xf32>
      %swap3A_352 = arith.index_cast %scan3A_204 : i32 to index
      %swap3A_353 = arith.constant 48 : index
      %swap3A_354 = tpu.vector_load %arg9[%swap3A_352, %swap3A_353] {strides = array<i32>} : memref<32x128xf32, #tpu.memory_space<vmem>>, vector<16xf32>,
      tpu.vector_store %arg9[%swap3A_352, %swap3A_353], %add3A_351 {strides = array<i32>} : memref<32x128xf32, #tpu.memory_space<vmem>>, vector<16xf32>,
      %get3A_355 = arith.constant 64 : index
      %get3A_356 = tpu.vector_load %arg10[%get3A_355] {strides = array<i32>} : memref<128xf32, #tpu.memory_space<vmem>>, vector<16xf32>,
      %get3A_357 = arith.constant 64 : index
      %get3A_358 = tpu.vector_load %arg11[%get3A_357] {strides = array<i32>} : memref<128xf32, #tpu.memory_space<vmem>>, vector<16xf32>,
      %mul3A_359 = arith.mulf %sub3A_244, %mul3A_315 : vector<16xf32>
      %mul3A_360 = arith.mulf %mul3A_359, %get3A_356 : vector<16xf32>
      %add3A_361 = arith.addf %mul3A_360, %get3A_358 : vector<16xf32>
      %swap3A_362 = arith.index_cast %scan3A_204 : i32 to index
      %swap3A_363 = arith.constant 64 : index
      %swap3A_364 = tpu.vector_load %arg9[%swap3A_362, %swap3A_363] {strides = array<i32>} : memref<32x128xf32, #tpu.memory_space<vmem>>, vector<16xf32>,
      tpu.vector_store %arg9[%swap3A_362, %swap3A_363], %add3A_361 {strides = array<i32>} : memref<32x128xf32, #tpu.memory_space<vmem>>, vector<16xf32>,
      %get3A_365 = arith.constant 80 : index
      %get3A_366 = tpu.vector_load %arg10[%get3A_365] {strides = array<i32>} : memref<128xf32, #tpu.memory_space<vmem>>, vector<16xf32>,
      %get3A_367 = arith.constant 80 : index
      %get3A_368 = tpu.vector_load %arg11[%get3A_367] {strides = array<i32>} : memref<128xf32, #tpu.memory_space<vmem>>, vector<16xf32>,
      %mul3A_369 = arith.mulf %sub3A_245, %mul3A_315 : vector<16xf32>
      %mul3A_370 = arith.mulf %mul3A_369, %get3A_366 : vector<16xf32>
      %add3A_371 = arith.addf %mul3A_370, %get3A_368 : vector<16xf32>
      %swap3A_372 = arith.index_cast %scan3A_204 : i32 to index
      %swap3A_373 = arith.constant 80 : index
      %swap3A_374 = tpu.vector_load %arg9[%swap3A_372, %swap3A_373] {strides = array<i32>} : memref<32x128xf32, #tpu.memory_space<vmem>>, vector<16xf32>,
      tpu.vector_store %arg9[%swap3A_372, %swap3A_373], %add3A_371 {strides = array<i32>} : memref<32x128xf32, #tpu.memory_space<vmem>>, vector<16xf32>,
      %get3A_375 = arith.constant 96 : index
      %get3A_376 = tpu.vector_load %arg10[%get3A_375] {strides = array<i32>} : memref<128xf32, #tpu.memory_space<vmem>>, vector<16xf32>,
      %get3A_377 = arith.constant 96 : index
      %get3A_378 = tpu.vector_load %arg11[%get3A_377] {strides = array<i32>} : memref<128xf32, #tpu.memory_space<vmem>>, vector<16xf32>,
      %mul3A_379 = arith.mulf %sub3A_246, %mul3A_315 : vector<16xf32>
      %mul3A_380 = arith.mulf %mul3A_379, %get3A_376 : vector<16xf32>
      %add3A_381 = arith.addf %mul3A_380, %get3A_378 : vector<16xf32>
      %swap3A_382 = arith.index_cast %scan3A_204 : i32 to index
      %swap3A_383 = arith.constant 96 : index
      %swap3A_384 = tpu.vector_load %arg9[%swap3A_382, %swap3A_383] {strides = array<i32>} : memref<32x128xf32, #tpu.memory_space<vmem>>, vector<16xf32>,
      tpu.vector_store %arg9[%swap3A_382, %swap3A_383], %add3A_381 {strides = array<i32>} : memref<32x128xf32, #tpu.memory_space<vmem>>, vector<16xf32>,
      %get3A_385 = arith.constant 112 : index
      %get3A_386 = tpu.vector_load %arg10[%get3A_385] {strides = array<i32>} : memref<128xf32, #tpu.memory_space<vmem>>, vector<16xf32>,
      %get3A_387 = arith.constant 112 : index
      %get3A_388 = tpu.vector_load %arg11[%get3A_387] {strides = array<i32>} : memref<128xf32, #tpu.memory_space<vmem>>, vector<16xf32>,
      %mul3A_389 = arith.mulf %sub3A_247, %mul3A_315 : vector<16xf32>
      %mul3A_390 = arith.mulf %mul3A_389, %get3A_386 : vector<16xf32>
      %add3A_391 = arith.addf %mul3A_390, %get3A_388 : vector<16xf32>
      %swap3A_392 = arith.index_cast %scan3A_204 : i32 to index
      %swap3A_393 = arith.constant 112 : index
      %swap3A_394 = tpu.vector_load %arg9[%swap3A_392, %swap3A_393] {strides = array<i32>} : memref<32x128xf32, #tpu.memory_space<vmem>>, vector<16xf32>,
      tpu.vector_store %arg9[%swap3A_392, %swap3A_393], %add3A_391 {strides = array<i32>} : memref<32x128xf32, #tpu.memory_space<vmem>>, vector<16xf32>,
    }
    %scan3A_14 = arith.constant 32 : i32
    "tpu.region"() ({
      %run_scoped3A = tpu.sem_alloc : memref<!tpu.dma_semaphore, #tpu.memory_space<semaphore_mem>>
      %dma_start3A_204 = arith.constant 0 : i32
      %dma_start3A_205 = tpu.memref_slice %arg12[%add3A_9, %dma_start3A_204] : memref<1000x128xf32, #tpu.memory_space<vmem_shared>> -> memref<32x128xf32, #tpu.memory_space<vmem_shared>>
      %dma_start3A_206 = arith.constant 0 : i32
      %dma_start3A_207 = tpu.memref_slice %arg12[%add3A_9, %dma_start3A_206] : memref<1000x128xf32, #tpu.memory_space<vmem_shared>> -> memref<32x128xf32, #tpu.memory_space<vmem_shared>>
      tpu.enqueue_dma source(%arg9 : memref<32x128xf32, #tpu.memory_space<vmem>>) target(%dma_start3A_207 : memref<32x128xf32, #tpu.memory_space<vmem_shared>>) target_semaphore(%run_scoped3A : memref<!tpu.dma_semaphore, #tpu.memory_space<semaphore_mem>>)
      %dma_wait3A_208 = arith.constant 0 : i32
      %dma_wait3A_209 = tpu.memref_slice %arg12[%add3A_9, %dma_wait3A_208] : memref<1000x128xf32, #tpu.memory_space<vmem_shared>> -> memref<32x128xf32, #tpu.memory_space<vmem_shared>>
      %dma_wait3A_210 = arith.constant 0 : i32
      %dma_wait3A_211 = tpu.memref_slice %arg12[%add3A_9, %dma_wait3A_210] : memref<1000x128xf32, #tpu.memory_space<vmem_shared>> -> memref<32x128xf32, #tpu.memory_space<vmem_shared>>
      tpu.wait_dma2 semaphore(%run_scoped3A : memref<!tpu.dma_semaphore, #tpu.memory_space<semaphore_mem>>) src(%arg9 : memref<32x128xf32, #tpu.memory_space<vmem>>) dst(%dma_wait3A_211 : memref<32x128xf32, #tpu.memory_space<vmem_shared>>)
      tpu.yield
    }) : () -> ()
    %add3A_15 = arith.constant 32 : i32
    %add3A_16 = arith.addi %min3A_5, %add3A_15 : i32
    "tpu.region"() ({
      %run_scoped3A = tpu.sem_alloc : memref<!tpu.dma_semaphore, #tpu.memory_space<semaphore_mem>>
      %dma_start3A_204 = arith.constant 0 : i32
      %dma_start3A_205 = tpu.memref_slice %arg2[%add3A_16, %dma_start3A_204] : memref<1000x128xf32, #tpu.memory_space<hbm>> -> memref<32x128xf32, #tpu.memory_space<hbm>>
      %dma_start3A_206 = arith.constant 0 : i32
      %dma_start3A_207 = tpu.memref_slice %arg2[%add3A_16, %dma_start3A_206] : memref<1000x128xf32, #tpu.memory_space<hbm>> -> memref<32x128xf32, #tpu.memory_space<hbm>>
      tpu.enqueue_dma source(%dma_start3A_207 : memref<32x128xf32, #tpu.memory_space<hbm>>) target(%arg9 : memref<32x128xf32, #tpu.memory_space<vmem>>) target_semaphore(%run_scoped3A : memref<!tpu.dma_semaphore, #tpu.memory_space<semaphore_mem>>)
      %dma_wait3A_208 = arith.constant 0 : i32
      %dma_wait3A_209 = tpu.memref_slice %arg2[%add3A_16, %dma_wait3A_208] : memref<1000x128xf32, #tpu.memory_space<hbm>> -> memref<32x128xf32, #tpu.memory_space<hbm>>
      %dma_wait3A_210 = arith.constant 0 : i32
      %dma_wait3A_211 = tpu.memref_slice %arg2[%add3A_16, %dma_wait3A_210] : memref<1000x128xf32, #tpu.memory_space<hbm>> -> memref<32x128xf32, #tpu.memory_space<hbm>>
      tpu.wait_dma2 semaphore(%run_scoped3A : memref<!tpu.dma_semaphore, #tpu.memory_space<semaphore_mem>>) src(%dma_wait3A_211 : memref<32x128xf32, #tpu.memory_space<hbm>>) dst(%arg9 : memref<32x128xf32, #tpu.memory_space<vmem>>)
      tpu.yield
    }) : () -> ()
    %scan3A_17 = arith.constant 0 : i32
    %scan3A_18 = arith.constant 0 : i32
    %scan3A_19 = arith.constant 32 : i32
    %scan3A_20 = arith.addi %scan3A_18, %scan3A_19 : i32
    %scan3A_21 = arith.constant 1 : i32
    scf.for %scan3A_204 = %scan3A_18 to %scan3A_20 step %scan3A_21  : i32 {
      %get3A = arith.index_cast %scan3A_204 : i32 to index
      %get3A_205 = arith.constant 0 : index
      %get3A_206 = tpu.vector_load %arg9[%get3A, %get3A_205] {strides = array<i32>} : memref<32x128xf32, #tpu.memory_space<vmem>>, vector<16xf32>,
      %get3A_207 = arith.index_cast %scan3A_204 : i32 to index
      %get3A_208 = arith.constant 16 : index
      %get3A_209 = tpu.vector_load %arg9[%get3A_207, %get3A_208] {strides = array<i32>} : memref<32x128xf32, #tpu.memory_space<vmem>>, vector<16xf32>,
      %get3A_210 = arith.index_cast %scan3A_204 : i32 to index
      %get3A_211 = arith.constant 32 : index
      %get3A_212 = tpu.vector_load %arg9[%get3A_210, %get3A_211] {strides = array<i32>} : memref<32x128xf32, #tpu.memory_space<vmem>>, vector<16xf32>,
      %get3A_213 = arith.index_cast %scan3A_204 : i32 to index
      %get3A_214 = arith.constant 48 : index
      %get3A_215 = tpu.vector_load %arg9[%get3A_213, %get3A_214] {strides = array<i32>} : memref<32x128xf32, #tpu.memory_space<vmem>>, vector<16xf32>,
      %get3A_216 = arith.index_cast %scan3A_204 : i32 to index
      %get3A_217 = arith.constant 64 : index
      %get3A_218 = tpu.vector_load %arg9[%get3A_216, %get3A_217] {strides = array<i32>} : memref<32x128xf32, #tpu.memory_space<vmem>>, vector<16xf32>,
      %get3A_219 = arith.index_cast %scan3A_204 : i32 to index
      %get3A_220 = arith.constant 80 : index
      %get3A_221 = tpu.vector_load %arg9[%get3A_219, %get3A_220] {strides = array<i32>} : memref<32x128xf32, #tpu.memory_space<vmem>>, vector<16xf32>,
      %get3A_222 = arith.index_cast %scan3A_204 : i32 to index
      %get3A_223 = arith.constant 96 : index
      %get3A_224 = tpu.vector_load %arg9[%get3A_222, %get3A_223] {strides = array<i32>} : memref<32x128xf32, #tpu.memory_space<vmem>>, vector<16xf32>,
      %get3A_225 = arith.index_cast %scan3A_204 : i32 to index
      %get3A_226 = arith.constant 112 : index
      %get3A_227 = tpu.vector_load %arg9[%get3A_225, %get3A_226] {strides = array<i32>} : memref<32x128xf32, #tpu.memory_space<vmem>>, vector<16xf32>,
      %add3A_228 = arith.addf %get3A_206, %get3A_209 : vector<16xf32>
      %add3A_229 = arith.addf %add3A_228, %get3A_212 : vector<16xf32>
      %add3A_230 = arith.addf %add3A_229, %get3A_215 : vector<16xf32>
      %add3A_231 = arith.addf %add3A_230, %get3A_218 : vector<16xf32>
      %add3A_232 = arith.addf %add3A_231, %get3A_221 : vector<16xf32>
      %add3A_233 = arith.addf %add3A_232, %get3A_224 : vector<16xf32>
      %add3A_234 = arith.addf %add3A_233, %get3A_227 : vector<16xf32>
      %reduce_sum3A = arith.constant true
      %reduce_sum3A_235 = vector.broadcast %reduce_sum3A : i1 to vector<16xi1>
      %reduce_sum3A_236 = tpu.scan <sum>, %add3A_234 masked %reduce_sum3A_235 : vector<16xf32>, vector<16xi1> -> vector<16xf32>
      %reduce_sum3A_237 = vector.extract %reduce_sum3A_236[15] : f32 from vector<16xf32>
      %broadcast_in_dim3A = vector.broadcast %reduce_sum3A_237 : f32 to vector<16xf32>
      %mul3A_238 = arith.constant 7.812500e-03 : f32
      %mul3A_239 = vector.broadcast %mul3A_238 : f32 to vector<16xf32>
      %mul3A_240 = arith.mulf %broadcast_in_dim3A, %mul3A_239 : vector<16xf32>
      %sub3A = arith.subf %get3A_206, %mul3A_240 : vector<16xf32>
      %sub3A_241 = arith.subf %get3A_209, %mul3A_240 : vector<16xf32>
      %sub3A_242 = arith.subf %get3A_212, %mul3A_240 : vector<16xf32>
      %sub3A_243 = arith.subf %get3A_215, %mul3A_240 : vector<16xf32>
      %sub3A_244 = arith.subf %get3A_218, %mul3A_240 : vector<16xf32>
      %sub3A_245 = arith.subf %get3A_221, %mul3A_240 : vector<16xf32>
      %sub3A_246 = arith.subf %get3A_224, %mul3A_240 : vector<16xf32>
      %sub3A_247 = arith.subf %get3A_227, %mul3A_240 : vector<16xf32>
      %mul3A_248 = arith.mulf %sub3A, %sub3A : vector<16xf32>
      %mul3A_249 = arith.mulf %sub3A_241, %sub3A_241 : vector<16xf32>
      %add3A_250 = arith.addf %mul3A_248, %mul3A_249 : vector<16xf32>
      %mul3A_251 = arith.mulf %sub3A_242, %sub3A_242 : vector<16xf32>
      %add3A_252 = arith.addf %add3A_250, %mul3A_251 : vector<16xf32>
      %mul3A_253 = arith.mulf %sub3A_243, %sub3A_243 : vector<16xf32>
      %add3A_254 = arith.addf %add3A_252, %mul3A_253 : vector<16xf32>
      %mul3A_255 = arith.mulf %sub3A_244, %sub3A_244 : vector<16xf32>
      %add3A_256 = arith.addf %add3A_254, %mul3A_255 : vector<16xf32>
      %mul3A_257 = arith.mulf %sub3A_245, %sub3A_245 : vector<16xf32>
      %add3A_258 = arith.addf %add3A_256, %mul3A_257 : vector<16xf32>
      %mul3A_259 = arith.mulf %sub3A_246, %sub3A_246 : vector<16xf32>
      %add3A_260 = arith.addf %add3A_258, %mul3A_259 : vector<16xf32>
      %mul3A_261 = arith.mulf %sub3A_247, %sub3A_247 : vector<16xf32>
      %add3A_262 = arith.addf %add3A_260, %mul3A_261 : vector<16xf32>
      %reduce_sum3A_263 = arith.constant true
      %reduce_sum3A_264 = vector.broadcast %reduce_sum3A_263 : i1 to vector<16xi1>
      %reduce_sum3A_265 = tpu.scan <sum>, %add3A_262 masked %reduce_sum3A_264 : vector<16xf32>, vector<16xi1> -> vector<16xf32>
      %reduce_sum3A_266 = vector.extract %reduce_sum3A_265[15] : f32 from vector<16xf32>
      %broadcast_in_dim3A_267 = vector.broadcast %reduce_sum3A_266 : f32 to vector<16xf32>
      %mul3A_268 = arith.constant 7.812500e-03 : f32
      %mul3A_269 = vector.broadcast %mul3A_268 : f32 to vector<16xf32>
      %mul3A_270 = arith.mulf %broadcast_in_dim3A_267, %mul3A_269 : vector<16xf32>
      %add3A_271 = arith.constant 9.99999974E-6 : f32
      %add3A_272 = vector.broadcast %add3A_271 : f32 to vector<16xf32>
      %add3A_273 = arith.addf %mul3A_270, %add3A_272 : vector<16xf32>
      %bitcast_convert_type3A = tpu.bitcast %add3A_273 : vector<16xf32> -> vector<16xi32>
      %broadcast_in_dim3A_274 = arith.constant 1597463007 : i32
      %broadcast_in_dim3A_275 = vector.broadcast %broadcast_in_dim3A_274 : i32 to vector<16xi32>
      %shift_right_arithmetic3A = arith.constant 1 : i32
      %shift_right_arithmetic3A_276 = vector.broadcast %shift_right_arithmetic3A : i32 to vector<16xi32>
      %shift_right_arithmetic3A_277 = arith.shrsi %bitcast_convert_type3A, %shift_right_arithmetic3A_276 : vector<16xi32>
      %sub3A_278 = arith.subi %broadcast_in_dim3A_275, %shift_right_arithmetic3A_277 : vector<16xi32>
      %bitcast_convert_type3A_279 = tpu.bitcast %sub3A_278 : vector<16xi32> -> vector<16xf32>
      %mul3A_280 = arith.constant 5.000000e-01 : f32
      %mul3A_281 = vector.broadcast %mul3A_280 : f32 to vector<16xf32>
      %mul3A_282 = arith.mulf %mul3A_281, %add3A_273 : vector<16xf32>
      %mul3A_283 = arith.mulf %mul3A_282, %bitcast_convert_type3A_279 : vector<16xf32>
      %mul3A_284 = arith.mulf %mul3A_283, %bitcast_convert_type3A_279 : vector<16xf32>
      %sub3A_285 = arith.constant 1.500000e+00 : f32
      %sub3A_286 = vector.broadcast %sub3A_285 : f32 to vector<16xf32>
      %sub3A_287 = arith.subf %sub3A_286, %mul3A_284 : vector<16xf32>
      %mul3A_288 = arith.mulf %bitcast_convert_type3A_279, %sub3A_287 : vector<16xf32>
      %mul3A_289 = arith.constant 5.000000e-01 : f32
      %mul3A_290 = vector.broadcast %mul3A_289 : f32 to vector<16xf32>
      %mul3A_291 = arith.mulf %mul3A_290, %add3A_273 : vector<16xf32>
      %mul3A_292 = arith.mulf %mul3A_291, %mul3A_288 : vector<16xf32>
      %mul3A_293 = arith.mulf %mul3A_292, %mul3A_288 : vector<16xf32>
      %sub3A_294 = arith.constant 1.500000e+00 : f32
      %sub3A_295 = vector.broadcast %sub3A_294 : f32 to vector<16xf32>
      %sub3A_296 = arith.subf %sub3A_295, %mul3A_293 : vector<16xf32>
      %mul3A_297 = arith.mulf %mul3A_288, %sub3A_296 : vector<16xf32>
      %mul3A_298 = arith.constant 5.000000e-01 : f32
      %mul3A_299 = vector.broadcast %mul3A_298 : f32 to vector<16xf32>
      %mul3A_300 = arith.mulf %mul3A_299, %add3A_273 : vector<16xf32>
      %mul3A_301 = arith.mulf %mul3A_300, %mul3A_297 : vector<16xf32>
      %mul3A_302 = arith.mulf %mul3A_301, %mul3A_297 : vector<16xf32>
      %sub3A_303 = arith.constant 1.500000e+00 : f32
      %sub3A_304 = vector.broadcast %sub3A_303 : f32 to vector<16xf32>
      %sub3A_305 = arith.subf %sub3A_304, %mul3A_302 : vector<16xf32>
      %mul3A_306 = arith.mulf %mul3A_297, %sub3A_305 : vector<16xf32>
      %mul3A_307 = arith.constant 5.000000e-01 : f32
      %mul3A_308 = vector.broadcast %mul3A_307 : f32 to vector<16xf32>
      %mul3A_309 = arith.mulf %mul3A_308, %add3A_273 : vector<16xf32>
      %mul3A_310 = arith.mulf %mul3A_309, %mul3A_306 : vector<16xf32>
      %mul3A_311 = arith.mulf %mul3A_310, %mul3A_306 : vector<16xf32>
      %sub3A_312 = arith.constant 1.500000e+00 : f32
      %sub3A_313 = vector.broadcast %sub3A_312 : f32 to vector<16xf32>
      %sub3A_314 = arith.subf %sub3A_313, %mul3A_311 : vector<16xf32>
      %mul3A_315 = arith.mulf %mul3A_306, %sub3A_314 : vector<16xf32>
      %get3A_316 = arith.constant 0 : index
      %get3A_317 = tpu.vector_load %arg10[%get3A_316] {strides = array<i32>} : memref<128xf32, #tpu.memory_space<vmem>>, vector<16xf32>,
      %get3A_318 = arith.constant 0 : index
      %get3A_319 = tpu.vector_load %arg11[%get3A_318] {strides = array<i32>} : memref<128xf32, #tpu.memory_space<vmem>>, vector<16xf32>,
      %mul3A_320 = arith.mulf %sub3A, %mul3A_315 : vector<16xf32>
      %mul3A_321 = arith.mulf %mul3A_320, %get3A_317 : vector<16xf32>
      %add3A_322 = arith.addf %mul3A_321, %get3A_319 : vector<16xf32>
      %swap3A = arith.index_cast %scan3A_204 : i32 to index
      %swap3A_323 = arith.constant 0 : index
      %swap3A_324 = tpu.vector_load %arg9[%swap3A, %swap3A_323] {strides = array<i32>} : memref<32x128xf32, #tpu.memory_space<vmem>>, vector<16xf32>,
      tpu.vector_store %arg9[%swap3A, %swap3A_323], %add3A_322 {strides = array<i32>} : memref<32x128xf32, #tpu.memory_space<vmem>>, vector<16xf32>,
      %get3A_325 = arith.constant 16 : index
      %get3A_326 = tpu.vector_load %arg10[%get3A_325] {strides = array<i32>} : memref<128xf32, #tpu.memory_space<vmem>>, vector<16xf32>,
      %get3A_327 = arith.constant 16 : index
      %get3A_328 = tpu.vector_load %arg11[%get3A_327] {strides = array<i32>} : memref<128xf32, #tpu.memory_space<vmem>>, vector<16xf32>,
      %mul3A_329 = arith.mulf %sub3A_241, %mul3A_315 : vector<16xf32>
      %mul3A_330 = arith.mulf %mul3A_329, %get3A_326 : vector<16xf32>
      %add3A_331 = arith.addf %mul3A_330, %get3A_328 : vector<16xf32>
      %swap3A_332 = arith.index_cast %scan3A_204 : i32 to index
      %swap3A_333 = arith.constant 16 : index
      %swap3A_334 = tpu.vector_load %arg9[%swap3A_332, %swap3A_333] {strides = array<i32>} : memref<32x128xf32, #tpu.memory_space<vmem>>, vector<16xf32>,
      tpu.vector_store %arg9[%swap3A_332, %swap3A_333], %add3A_331 {strides = array<i32>} : memref<32x128xf32, #tpu.memory_space<vmem>>, vector<16xf32>,
      %get3A_335 = arith.constant 32 : index
      %get3A_336 = tpu.vector_load %arg10[%get3A_335] {strides = array<i32>} : memref<128xf32, #tpu.memory_space<vmem>>, vector<16xf32>,
      %get3A_337 = arith.constant 32 : index
      %get3A_338 = tpu.vector_load %arg11[%get3A_337] {strides = array<i32>} : memref<128xf32, #tpu.memory_space<vmem>>, vector<16xf32>,
      %mul3A_339 = arith.mulf %sub3A_242, %mul3A_315 : vector<16xf32>
      %mul3A_340 = arith.mulf %mul3A_339, %get3A_336 : vector<16xf32>
      %add3A_341 = arith.addf %mul3A_340, %get3A_338 : vector<16xf32>
      %swap3A_342 = arith.index_cast %scan3A_204 : i32 to index
      %swap3A_343 = arith.constant 32 : index
      %swap3A_344 = tpu.vector_load %arg9[%swap3A_342, %swap3A_343] {strides = array<i32>} : memref<32x128xf32, #tpu.memory_space<vmem>>, vector<16xf32>,
      tpu.vector_store %arg9[%swap3A_342, %swap3A_343], %add3A_341 {strides = array<i32>} : memref<32x128xf32, #tpu.memory_space<vmem>>, vector<16xf32>,
      %get3A_345 = arith.constant 48 : index
      %get3A_346 = tpu.vector_load %arg10[%get3A_345] {strides = array<i32>} : memref<128xf32, #tpu.memory_space<vmem>>, vector<16xf32>,
      %get3A_347 = arith.constant 48 : index
      %get3A_348 = tpu.vector_load %arg11[%get3A_347] {strides = array<i32>} : memref<128xf32, #tpu.memory_space<vmem>>, vector<16xf32>,
      %mul3A_349 = arith.mulf %sub3A_243, %mul3A_315 : vector<16xf32>
      %mul3A_350 = arith.mulf %mul3A_349, %get3A_346 : vector<16xf32>
      %add3A_351 = arith.addf %mul3A_350, %get3A_348 : vector<16xf32>
      %swap3A_352 = arith.index_cast %scan3A_204 : i32 to index
      %swap3A_353 = arith.constant 48 : index
      %swap3A_354 = tpu.vector_load %arg9[%swap3A_352, %swap3A_353] {strides = array<i32>} : memref<32x128xf32, #tpu.memory_space<vmem>>, vector<16xf32>,
      tpu.vector_store %arg9[%swap3A_352, %swap3A_353], %add3A_351 {strides = array<i32>} : memref<32x128xf32, #tpu.memory_space<vmem>>, vector<16xf32>,
      %get3A_355 = arith.constant 64 : index
      %get3A_356 = tpu.vector_load %arg10[%get3A_355] {strides = array<i32>} : memref<128xf32, #tpu.memory_space<vmem>>, vector<16xf32>,
      %get3A_357 = arith.constant 64 : index
      %get3A_358 = tpu.vector_load %arg11[%get3A_357] {strides = array<i32>} : memref<128xf32, #tpu.memory_space<vmem>>, vector<16xf32>,
      %mul3A_359 = arith.mulf %sub3A_244, %mul3A_315 : vector<16xf32>
      %mul3A_360 = arith.mulf %mul3A_359, %get3A_356 : vector<16xf32>
      %add3A_361 = arith.addf %mul3A_360, %get3A_358 : vector<16xf32>
      %swap3A_362 = arith.index_cast %scan3A_204 : i32 to index
      %swap3A_363 = arith.constant 64 : index
      %swap3A_364 = tpu.vector_load %arg9[%swap3A_362, %swap3A_363] {strides = array<i32>} : memref<32x128xf32, #tpu.memory_space<vmem>>, vector<16xf32>,
      tpu.vector_store %arg9[%swap3A_362, %swap3A_363], %add3A_361 {strides = array<i32>} : memref<32x128xf32, #tpu.memory_space<vmem>>, vector<16xf32>,
      %get3A_365 = arith.constant 80 : index
      %get3A_366 = tpu.vector_load %arg10[%get3A_365] {strides = array<i32>} : memref<128xf32, #tpu.memory_space<vmem>>, vector<16xf32>,
      %get3A_367 = arith.constant 80 : index
      %get3A_368 = tpu.vector_load %arg11[%get3A_367] {strides = array<i32>} : memref<128xf32, #tpu.memory_space<vmem>>, vector<16xf32>,
      %mul3A_369 = arith.mulf %sub3A_245, %mul3A_315 : vector<16xf32>
      %mul3A_370 = arith.mulf %mul3A_369, %get3A_366 : vector<16xf32>
      %add3A_371 = arith.addf %mul3A_370, %get3A_368 : vector<16xf32>
      %swap3A_372 = arith.index_cast %scan3A_204 : i32 to index
      %swap3A_373 = arith.constant 80 : index
      %swap3A_374 = tpu.vector_load %arg9[%swap3A_372, %swap3A_373] {strides = array<i32>} : memref<32x128xf32, #tpu.memory_space<vmem>>, vector<16xf32>,
      tpu.vector_store %arg9[%swap3A_372, %swap3A_373], %add3A_371 {strides = array<i32>} : memref<32x128xf32, #tpu.memory_space<vmem>>, vector<16xf32>,
      %get3A_375 = arith.constant 96 : index
      %get3A_376 = tpu.vector_load %arg10[%get3A_375] {strides = array<i32>} : memref<128xf32, #tpu.memory_space<vmem>>, vector<16xf32>,
      %get3A_377 = arith.constant 96 : index
      %get3A_378 = tpu.vector_load %arg11[%get3A_377] {strides = array<i32>} : memref<128xf32, #tpu.memory_space<vmem>>, vector<16xf32>,
      %mul3A_379 = arith.mulf %sub3A_246, %mul3A_315 : vector<16xf32>
      %mul3A_380 = arith.mulf %mul3A_379, %get3A_376 : vector<16xf32>
      %add3A_381 = arith.addf %mul3A_380, %get3A_378 : vector<16xf32>
      %swap3A_382 = arith.index_cast %scan3A_204 : i32 to index
      %swap3A_383 = arith.constant 96 : index
      %swap3A_384 = tpu.vector_load %arg9[%swap3A_382, %swap3A_383] {strides = array<i32>} : memref<32x128xf32, #tpu.memory_space<vmem>>, vector<16xf32>,
      tpu.vector_store %arg9[%swap3A_382, %swap3A_383], %add3A_381 {strides = array<i32>} : memref<32x128xf32, #tpu.memory_space<vmem>>, vector<16xf32>,
      %get3A_385 = arith.constant 112 : index
      %get3A_386 = tpu.vector_load %arg10[%get3A_385] {strides = array<i32>} : memref<128xf32, #tpu.memory_space<vmem>>, vector<16xf32>,
      %get3A_387 = arith.constant 112 : index
      %get3A_388 = tpu.vector_load %arg11[%get3A_387] {strides = array<i32>} : memref<128xf32, #tpu.memory_space<vmem>>, vector<16xf32>,
      %mul3A_389 = arith.mulf %sub3A_247, %mul3A_315 : vector<16xf32>
      %mul3A_390 = arith.mulf %mul3A_389, %get3A_386 : vector<16xf32>
      %add3A_391 = arith.addf %mul3A_390, %get3A_388 : vector<16xf32>
      %swap3A_392 = arith.index_cast %scan3A_204 : i32 to index
      %swap3A_393 = arith.constant 112 : index
      %swap3A_394 = tpu.vector_load %arg9[%swap3A_392, %swap3A_393] {strides = array<i32>} : memref<32x128xf32, #tpu.memory_space<vmem>>, vector<16xf32>,
      tpu.vector_store %arg9[%swap3A_392, %swap3A_393], %add3A_391 {strides = array<i32>} : memref<32x128xf32, #tpu.memory_space<vmem>>, vector<16xf32>,
    }
    %scan3A_22 = arith.constant 32 : i32
    "tpu.region"() ({
      %run_scoped3A = tpu.sem_alloc : memref<!tpu.dma_semaphore, #tpu.memory_space<semaphore_mem>>
      %dma_start3A_204 = arith.constant 0 : i32
      %dma_start3A_205 = tpu.memref_slice %arg12[%add3A_16, %dma_start3A_204] : memref<1000x128xf32, #tpu.memory_space<vmem_shared>> -> memref<32x128xf32, #tpu.memory_space<vmem_shared>>
      %dma_start3A_206 = arith.constant 0 : i32
      %dma_start3A_207 = tpu.memref_slice %arg12[%add3A_16, %dma_start3A_206] : memref<1000x128xf32, #tpu.memory_space<vmem_shared>> -> memref<32x128xf32, #tpu.memory_space<vmem_shared>>
      tpu.enqueue_dma source(%arg9 : memref<32x128xf32, #tpu.memory_space<vmem>>) target(%dma_start3A_207 : memref<32x128xf32, #tpu.memory_space<vmem_shared>>) target_semaphore(%run_scoped3A : memref<!tpu.dma_semaphore, #tpu.memory_space<semaphore_mem>>)
      %dma_wait3A_208 = arith.constant 0 : i32
      %dma_wait3A_209 = tpu.memref_slice %arg12[%add3A_16, %dma_wait3A_208] : memref<1000x128xf32, #tpu.memory_space<vmem_shared>> -> memref<32x128xf32, #tpu.memory_space<vmem_shared>>
      %dma_wait3A_210 = arith.constant 0 : i32
      %dma_wait3A_211 = tpu.memref_slice %arg12[%add3A_16, %dma_wait3A_210] : memref<1000x128xf32, #tpu.memory_space<vmem_shared>> -> memref<32x128xf32, #tpu.memory_space<vmem_shared>>
      tpu.wait_dma2 semaphore(%run_scoped3A : memref<!tpu.dma_semaphore, #tpu.memory_space<semaphore_mem>>) src(%arg9 : memref<32x128xf32, #tpu.memory_space<vmem>>) dst(%dma_wait3A_211 : memref<32x128xf32, #tpu.memory_space<vmem_shared>>)
      tpu.yield
    }) : () -> ()
    %barrier3A = arith.constant 0 : index
    tpu.barrier barrier_id(%barrier3A)
    %add3A_23 = arith.constant 0 : i32
    %add3A_24 = arith.addi %mul3A_2, %add3A_23 : i32
    %dma_start3A = arith.constant 0 : i32
    %dma_start3A_25 = arith.constant 0 : i32
    %dma_start3A_26 = arith.constant 0 : i32
    %dma_start3A_27 = arith.constant 0 : i32
    %dma_start3A_28 = arith.constant 0 : i32
    %dma_start3A_29 = tpu.memref_slice %arg8[%dma_start3A_25, %dma_start3A_27, %dma_start3A_28] : memref<6x128x128xf32, #tpu.memory_space<vmem>> -> memref<1x128x128xf32, #tpu.memory_space<vmem>>
    %dma_start3A_30 = tpu.memref_squeeze %dma_start3A_29 : memref<1x128x128xf32, #tpu.memory_space<vmem>> -> memref<128x128xf32, #tpu.memory_space<vmem>>
    %dma_start3A_31 = arith.constant 0 : i32
    %dma_start3A_32 = tpu.memref_slice %arg7[%dma_start3A, %dma_start3A_31] : memref<20x512xi32, #tpu.memory_space<vmem>> -> memref<1x128xi32, #tpu.memory_space<vmem>>
    %dma_start3A_33 = tpu.memref_squeeze %dma_start3A_32 : memref<1x128xi32, #tpu.memory_space<vmem>> -> memref<128xi32, #tpu.memory_space<vmem>>
    %dma_start3A_34 = arith.constant 0 : i32
    %dma_start3A_35 = arith.constant 0 : i32
    %dma_start3A_36 = tpu.memref_slice %arg12[%dma_start3A_34, %dma_start3A_35] : memref<1000x128xf32, #tpu.memory_space<vmem_shared>> -> memref<1000x128xf32, #tpu.memory_space<vmem_shared>>
    %dma_start3A_37 = tpu.memref_slice %arg13[%dma_start3A_26] : memref<6x!tpu.dma_semaphore, #tpu.memory_space<semaphore_mem>> -> memref<1x!tpu.dma_semaphore, #tpu.memory_space<semaphore_mem>>
    %dma_start3A_38 = tpu.memref_squeeze %dma_start3A_37 : memref<1x!tpu.dma_semaphore, #tpu.memory_space<semaphore_mem>> -> memref<!tpu.dma_semaphore, #tpu.memory_space<semaphore_mem>>
    tpu.enqueue_indirect_dma source(%dma_start3A_36 : memref<1000x128xf32, #tpu.memory_space<vmem_shared>>) target(%dma_start3A_30 : memref<128x128xf32, #tpu.memory_space<vmem>>) offsets(%dma_start3A_33 : memref<128xi32, #tpu.memory_space<vmem>>) semaphore(%dma_start3A_38 : memref<!tpu.dma_semaphore, #tpu.memory_space<semaphore_mem>>)
    %add3A_39 = arith.constant 128 : i32
    %add3A_40 = arith.addi %mul3A_2, %add3A_39 : i32
    %dma_start3A_41 = arith.constant 0 : i32
    %dma_start3A_42 = arith.constant 1 : i32
    %dma_start3A_43 = arith.constant 1 : i32
    %dma_start3A_44 = arith.constant 0 : i32
    %dma_start3A_45 = arith.constant 0 : i32
    %dma_start3A_46 = tpu.memref_slice %arg8[%dma_start3A_42, %dma_start3A_44, %dma_start3A_45] : memref<6x128x128xf32, #tpu.memory_space<vmem>> -> memref<1x128x128xf32, #tpu.memory_space<vmem>>
    %dma_start3A_47 = tpu.memref_squeeze %dma_start3A_46 : memref<1x128x128xf32, #tpu.memory_space<vmem>> -> memref<128x128xf32, #tpu.memory_space<vmem>>
    %dma_start3A_48 = arith.constant 128 : i32
    %dma_start3A_49 = tpu.memref_slice %arg7[%dma_start3A_41, %dma_start3A_48] : memref<20x512xi32, #tpu.memory_space<vmem>> -> memref<1x128xi32, #tpu.memory_space<vmem>>
    %dma_start3A_50 = tpu.memref_squeeze %dma_start3A_49 : memref<1x128xi32, #tpu.memory_space<vmem>> -> memref<128xi32, #tpu.memory_space<vmem>>
    %dma_start3A_51 = arith.constant 0 : i32
    %dma_start3A_52 = arith.constant 0 : i32
    %dma_start3A_53 = tpu.memref_slice %arg12[%dma_start3A_51, %dma_start3A_52] : memref<1000x128xf32, #tpu.memory_space<vmem_shared>> -> memref<1000x128xf32, #tpu.memory_space<vmem_shared>>
    %dma_start3A_54 = tpu.memref_slice %arg13[%dma_start3A_43] : memref<6x!tpu.dma_semaphore, #tpu.memory_space<semaphore_mem>> -> memref<1x!tpu.dma_semaphore, #tpu.memory_space<semaphore_mem>>
    %dma_start3A_55 = tpu.memref_squeeze %dma_start3A_54 : memref<1x!tpu.dma_semaphore, #tpu.memory_space<semaphore_mem>> -> memref<!tpu.dma_semaphore, #tpu.memory_space<semaphore_mem>>
    tpu.enqueue_indirect_dma source(%dma_start3A_53 : memref<1000x128xf32, #tpu.memory_space<vmem_shared>>) target(%dma_start3A_47 : memref<128x128xf32, #tpu.memory_space<vmem>>) offsets(%dma_start3A_50 : memref<128xi32, #tpu.memory_space<vmem>>) semaphore(%dma_start3A_55 : memref<!tpu.dma_semaphore, #tpu.memory_space<semaphore_mem>>)
    %add3A_56 = arith.constant 256 : i32
    %add3A_57 = arith.addi %mul3A_2, %add3A_56 : i32
    %dma_start3A_58 = arith.constant 0 : i32
    %dma_start3A_59 = arith.constant 2 : i32
    %dma_start3A_60 = arith.constant 2 : i32
    %dma_start3A_61 = arith.constant 0 : i32
    %dma_start3A_62 = arith.constant 0 : i32
    %dma_start3A_63 = tpu.memref_slice %arg8[%dma_start3A_59, %dma_start3A_61, %dma_start3A_62] : memref<6x128x128xf32, #tpu.memory_space<vmem>> -> memref<1x128x128xf32, #tpu.memory_space<vmem>>
    %dma_start3A_64 = tpu.memref_squeeze %dma_start3A_63 : memref<1x128x128xf32, #tpu.memory_space<vmem>> -> memref<128x128xf32, #tpu.memory_space<vmem>>
    %dma_start3A_65 = arith.constant 256 : i32
    %dma_start3A_66 = tpu.memref_slice %arg7[%dma_start3A_58, %dma_start3A_65] : memref<20x512xi32, #tpu.memory_space<vmem>> -> memref<1x128xi32, #tpu.memory_space<vmem>>
    %dma_start3A_67 = tpu.memref_squeeze %dma_start3A_66 : memref<1x128xi32, #tpu.memory_space<vmem>> -> memref<128xi32, #tpu.memory_space<vmem>>
    %dma_start3A_68 = arith.constant 0 : i32
    %dma_start3A_69 = arith.constant 0 : i32
    %dma_start3A_70 = tpu.memref_slice %arg12[%dma_start3A_68, %dma_start3A_69] : memref<1000x128xf32, #tpu.memory_space<vmem_shared>> -> memref<1000x128xf32, #tpu.memory_space<vmem_shared>>
    %dma_start3A_71 = tpu.memref_slice %arg13[%dma_start3A_60] : memref<6x!tpu.dma_semaphore, #tpu.memory_space<semaphore_mem>> -> memref<1x!tpu.dma_semaphore, #tpu.memory_space<semaphore_mem>>
    %dma_start3A_72 = tpu.memref_squeeze %dma_start3A_71 : memref<1x!tpu.dma_semaphore, #tpu.memory_space<semaphore_mem>> -> memref<!tpu.dma_semaphore, #tpu.memory_space<semaphore_mem>>
    tpu.enqueue_indirect_dma source(%dma_start3A_70 : memref<1000x128xf32, #tpu.memory_space<vmem_shared>>) target(%dma_start3A_64 : memref<128x128xf32, #tpu.memory_space<vmem>>) offsets(%dma_start3A_67 : memref<128xi32, #tpu.memory_space<vmem>>) semaphore(%dma_start3A_72 : memref<!tpu.dma_semaphore, #tpu.memory_space<semaphore_mem>>)
    %scan3A_73 = arith.constant 0 : i32
    %scan3A_74 = arith.constant 0 : i32
    %scan3A_75 = arith.constant 80 : i32
    %scan3A_76 = arith.addi %scan3A_74, %scan3A_75 : i32
    %scan3A_77 = arith.constant 1 : i32
    scf.for %scan3A_204 = %scan3A_74 to %scan3A_76 step %scan3A_77  : i32 {
      %jit3A = arith.constant 6 : i32
      %eq3A = arith.constant 0 : i32
      %eq3A_205 = arith.cmpi eq, %jit3A, %eq3A : i32
      %jit3A_206 = arith.constant 1 : i32
      %select_n3A = arith.select %eq3A_205, %jit3A_206, %jit3A : i32
      %rem3A = arith.remsi %scan3A_204, %select_n3A : i32
      %ne3A = arith.constant 0 : i32
      %ne3A_207 = arith.cmpi ne, %rem3A, %ne3A : i32
      %lt3A = arith.constant 0 : i32
      %lt3A_208 = arith.cmpi slt, %rem3A, %lt3A : i32
      %lt3A_209 = arith.constant 0 : i32
      %lt3A_210 = arith.cmpi slt, %select_n3A, %lt3A_209 : i32
      %ne3A_211 = arith.xori %lt3A_208, %lt3A_210 : i1
      %and3A = arith.andi %ne3A_211, %ne3A_207 : i1
      %add3A_212 = arith.addi %rem3A, %select_n3A : i32
      %select_n3A_213 = arith.select %and3A, %add3A_212, %rem3A : i32
      %jit3A_214 = arith.constant 4 : i32
      %div3A = arith.divsi %scan3A_204, %jit3A_214 : i32
      %sign3A = arith.constant 0 : i32
      %sign3A_215 = arith.cmpi sgt, %scan3A_204, %sign3A : i32
      %sign3A_216 = arith.extui %sign3A_215 : i1 to i32
      %sign3A_217 = arith.constant 0 : i32
      %sign3A_218 = arith.cmpi slt, %scan3A_204, %sign3A_217 : i32
      %sign3A_219 = arith.extui %sign3A_218 : i1 to i32
      %sign3A_220 = arith.subi %sign3A_216, %sign3A_219 : i32
      %sign3A_221 = arith.constant 0 : i32
      %sign3A_222 = arith.cmpi sgt, %jit3A_214, %sign3A_221 : i32
      %sign3A_223 = arith.extui %sign3A_222 : i1 to i32
      %sign3A_224 = arith.constant 0 : i32
      %sign3A_225 = arith.cmpi slt, %jit3A_214, %sign3A_224 : i32
      %sign3A_226 = arith.extui %sign3A_225 : i1 to i32
      %sign3A_227 = arith.subi %sign3A_223, %sign3A_226 : i32
      %ne3A_228 = arith.cmpi ne, %sign3A_220, %sign3A_227 : i32
      %rem3A_229 = arith.remsi %scan3A_204, %jit3A_214 : i32
      %ne3A_230 = arith.constant 0 : i32
      %ne3A_231 = arith.cmpi ne, %rem3A_229, %ne3A_230 : i32
      %and3A_232 = arith.andi %ne3A_228, %ne3A_231 : i1
      %sub3A = arith.constant 1 : i32
      %sub3A_233 = arith.subi %div3A, %sub3A : i32
      %select_n3A_234 = arith.select %and3A_232, %sub3A_233, %div3A : i32
      %jit3A_235 = arith.constant 4 : i32
      %eq3A_236 = arith.constant 0 : i32
      %eq3A_237 = arith.cmpi eq, %jit3A_235, %eq3A_236 : i32
      %jit3A_238 = arith.constant 1 : i32
      %select_n3A_239 = arith.select %eq3A_237, %jit3A_238, %jit3A_235 : i32
      %rem3A_240 = arith.remsi %scan3A_204, %select_n3A_239 : i32
      %ne3A_241 = arith.constant 0 : i32
      %ne3A_242 = arith.cmpi ne, %rem3A_240, %ne3A_241 : i32
      %lt3A_243 = arith.constant 0 : i32
      %lt3A_244 = arith.cmpi slt, %rem3A_240, %lt3A_243 : i32
      %lt3A_245 = arith.constant 0 : i32
      %lt3A_246 = arith.cmpi slt, %select_n3A_239, %lt3A_245 : i32
      %ne3A_247 = arith.xori %lt3A_244, %lt3A_246 : i1
      %and3A_248 = arith.andi %ne3A_247, %ne3A_242 : i1
      %add3A_249 = arith.addi %rem3A_240, %select_n3A_239 : i32
      %select_n3A_250 = arith.select %and3A_248, %add3A_249, %rem3A_240 : i32
      %mul3A_251 = arith.constant 128 : i32
      %mul3A_252 = arith.muli %select_n3A_250, %mul3A_251 : i32
      %add3A_253 = arith.addi %mul3A_2, %mul3A_252 : i32
      %jit3A_254 = arith.constant 4 : i32
      %eq3A_255 = arith.constant 0 : i32
      %eq3A_256 = arith.cmpi eq, %jit3A_254, %eq3A_255 : i32
      %jit3A_257 = arith.constant 1 : i32
      %select_n3A_258 = arith.select %eq3A_256, %jit3A_257, %jit3A_254 : i32
      %rem3A_259 = arith.remsi %scan3A_204, %select_n3A_258 : i32
      %ne3A_260 = arith.constant 0 : i32
      %ne3A_261 = arith.cmpi ne, %rem3A_259, %ne3A_260 : i32
      %lt3A_262 = arith.constant 0 : i32
      %lt3A_263 = arith.cmpi slt, %rem3A_259, %lt3A_262 : i32
      %lt3A_264 = arith.constant 0 : i32
      %lt3A_265 = arith.cmpi slt, %select_n3A_258, %lt3A_264 : i32
      %ne3A_266 = arith.xori %lt3A_263, %lt3A_265 : i1
      %and3A_267 = arith.andi %ne3A_266, %ne3A_261 : i1
      %add3A_268 = arith.addi %rem3A_259, %select_n3A_258 : i32
      %select_n3A_269 = arith.select %and3A_267, %add3A_268, %rem3A_259 : i32
      %mul3A_270 = arith.constant 128 : i32
      %mul3A_271 = arith.muli %select_n3A_269, %mul3A_270 : i32
      %dma_wait3A_272 = arith.constant 0 : i32
      %dma_wait3A_273 = arith.constant 0 : i32
      %dma_wait3A_274 = tpu.memref_slice %arg8[%select_n3A_213, %dma_wait3A_272, %dma_wait3A_273] : memref<6x128x128xf32, #tpu.memory_space<vmem>> -> memref<1x128x128xf32, #tpu.memory_space<vmem>>
      %dma_wait3A_275 = tpu.memref_squeeze %dma_wait3A_274 : memref<1x128x128xf32, #tpu.memory_space<vmem>> -> memref<128x128xf32, #tpu.memory_space<vmem>>
      %dma_wait3A_276 = tpu.memref_slice %arg7[%select_n3A_234, %mul3A_271] : memref<20x512xi32, #tpu.memory_space<vmem>> -> memref<1x128xi32, #tpu.memory_space<vmem>>
      %dma_wait3A_277 = tpu.memref_squeeze %dma_wait3A_276 : memref<1x128xi32, #tpu.memory_space<vmem>> -> memref<128xi32, #tpu.memory_space<vmem>>
      %dma_wait3A_278 = arith.constant 0 : i32
      %dma_wait3A_279 = arith.constant 0 : i32
      %dma_wait3A_280 = tpu.memref_slice %arg12[%dma_wait3A_278, %dma_wait3A_279] : memref<1000x128xf32, #tpu.memory_space<vmem_shared>> -> memref<1000x128xf32, #tpu.memory_space<vmem_shared>>
      %dma_wait3A_281 = tpu.memref_slice %arg13[%select_n3A_213] : memref<6x!tpu.dma_semaphore, #tpu.memory_space<semaphore_mem>> -> memref<1x!tpu.dma_semaphore, #tpu.memory_space<semaphore_mem>>
      %dma_wait3A_282 = tpu.memref_squeeze %dma_wait3A_281 : memref<1x!tpu.dma_semaphore, #tpu.memory_space<semaphore_mem>> -> memref<!tpu.dma_semaphore, #tpu.memory_space<semaphore_mem>>
      tpu.wait_indirect_dma semaphore(%dma_wait3A_282 : memref<!tpu.dma_semaphore, #tpu.memory_space<semaphore_mem>>) src(%dma_wait3A_280 : memref<1000x128xf32, #tpu.memory_space<vmem_shared>>) dst(%dma_wait3A_275 : memref<128x128xf32, #tpu.memory_space<vmem>>)
      %jit3A_283 = arith.constant 4 : i32
      %div3A_284 = arith.divsi %scan3A_204, %jit3A_283 : i32
      %sign3A_285 = arith.constant 0 : i32
      %sign3A_286 = arith.cmpi sgt, %scan3A_204, %sign3A_285 : i32
      %sign3A_287 = arith.extui %sign3A_286 : i1 to i32
      %sign3A_288 = arith.constant 0 : i32
      %sign3A_289 = arith.cmpi slt, %scan3A_204, %sign3A_288 : i32
      %sign3A_290 = arith.extui %sign3A_289 : i1 to i32
      %sign3A_291 = arith.subi %sign3A_287, %sign3A_290 : i32
      %sign3A_292 = arith.constant 0 : i32
      %sign3A_293 = arith.cmpi sgt, %jit3A_283, %sign3A_292 : i32
      %sign3A_294 = arith.extui %sign3A_293 : i1 to i32
      %sign3A_295 = arith.constant 0 : i32
      %sign3A_296 = arith.cmpi slt, %jit3A_283, %sign3A_295 : i32
      %sign3A_297 = arith.extui %sign3A_296 : i1 to i32
      %sign3A_298 = arith.subi %sign3A_294, %sign3A_297 : i32
      %ne3A_299 = arith.cmpi ne, %sign3A_291, %sign3A_298 : i32
      %rem3A_300 = arith.remsi %scan3A_204, %jit3A_283 : i32
      %ne3A_301 = arith.constant 0 : i32
      %ne3A_302 = arith.cmpi ne, %rem3A_300, %ne3A_301 : i32
      %and3A_303 = arith.andi %ne3A_299, %ne3A_302 : i1
      %sub3A_304 = arith.constant 1 : i32
      %sub3A_305 = arith.subi %div3A_284, %sub3A_304 : i32
      %select_n3A_306 = arith.select %and3A_303, %sub3A_305, %div3A_284 : i32
      %jit3A_307 = arith.constant 4 : i32
      %eq3A_308 = arith.constant 0 : i32
      %eq3A_309 = arith.cmpi eq, %jit3A_307, %eq3A_308 : i32
      %jit3A_310 = arith.constant 1 : i32
      %select_n3A_311 = arith.select %eq3A_309, %jit3A_310, %jit3A_307 : i32
      %rem3A_312 = arith.remsi %scan3A_204, %select_n3A_311 : i32
      %ne3A_313 = arith.constant 0 : i32
      %ne3A_314 = arith.cmpi ne, %rem3A_312, %ne3A_313 : i32
      %lt3A_315 = arith.constant 0 : i32
      %lt3A_316 = arith.cmpi slt, %rem3A_312, %lt3A_315 : i32
      %lt3A_317 = arith.constant 0 : i32
      %lt3A_318 = arith.cmpi slt, %select_n3A_311, %lt3A_317 : i32
      %ne3A_319 = arith.xori %lt3A_316, %lt3A_318 : i1
      %and3A_320 = arith.andi %ne3A_319, %ne3A_314 : i1
      %add3A_321 = arith.addi %rem3A_312, %select_n3A_311 : i32
      %select_n3A_322 = arith.select %and3A_320, %add3A_321, %rem3A_312 : i32
      %mul3A_323 = arith.constant 128 : i32
      %mul3A_324 = arith.muli %select_n3A_322, %mul3A_323 : i32
      %add3A_325 = arith.addi %mul3A_2, %mul3A_324 : i32
      %jit3A_326 = arith.constant 4 : i32
      %eq3A_327 = arith.constant 0 : i32
      %eq3A_328 = arith.cmpi eq, %jit3A_326, %eq3A_327 : i32
      %jit3A_329 = arith.constant 1 : i32
      %select_n3A_330 = arith.select %eq3A_328, %jit3A_329, %jit3A_326 : i32
      %rem3A_331 = arith.remsi %scan3A_204, %select_n3A_330 : i32
      %ne3A_332 = arith.constant 0 : i32
      %ne3A_333 = arith.cmpi ne, %rem3A_331, %ne3A_332 : i32
      %lt3A_334 = arith.constant 0 : i32
      %lt3A_335 = arith.cmpi slt, %rem3A_331, %lt3A_334 : i32
      %lt3A_336 = arith.constant 0 : i32
      %lt3A_337 = arith.cmpi slt, %select_n3A_330, %lt3A_336 : i32
      %ne3A_338 = arith.xori %lt3A_335, %lt3A_337 : i1
      %and3A_339 = arith.andi %ne3A_338, %ne3A_333 : i1
      %add3A_340 = arith.addi %rem3A_331, %select_n3A_330 : i32
      %select_n3A_341 = arith.select %and3A_339, %add3A_340, %rem3A_331 : i32
      %mul3A_342 = arith.constant 128 : i32
      %mul3A_343 = arith.muli %select_n3A_341, %mul3A_342 : i32
      %dma_start3A_344 = arith.constant 0 : i32
      %dma_start3A_345 = arith.constant 0 : i32
      %dma_start3A_346 = tpu.memref_slice %arg8[%select_n3A_213, %dma_start3A_344, %dma_start3A_345] : memref<6x128x128xf32, #tpu.memory_space<vmem>> -> memref<1x128x128xf32, #tpu.memory_space<vmem>>
      %dma_start3A_347 = tpu.memref_squeeze %dma_start3A_346 : memref<1x128x128xf32, #tpu.memory_space<vmem>> -> memref<128x128xf32, #tpu.memory_space<vmem>>
      %dma_start3A_348 = arith.constant 0 : i32
      %dma_start3A_349 = tpu.memref_slice %arg6[%select_n3A_306, %add3A_325, %dma_start3A_348] : memref<20x16384x128xf32, #tpu.memory_space<hbm>> -> memref<1x128x128xf32, #tpu.memory_space<hbm>>
      %dma_start3A_350 = tpu.memref_squeeze %dma_start3A_349 : memref<1x128x128xf32, #tpu.memory_space<hbm>> -> memref<128x128xf32, #tpu.memory_space<hbm>>
      %dma_start3A_351 = tpu.memref_slice %arg14[%select_n3A_213] : memref<6x!tpu.dma_semaphore, #tpu.memory_space<semaphore_mem>> -> memref<1x!tpu.dma_semaphore, #tpu.memory_space<semaphore_mem>>
      %dma_start3A_352 = tpu.memref_squeeze %dma_start3A_351 : memref<1x!tpu.dma_semaphore, #tpu.memory_space<semaphore_mem>> -> memref<!tpu.dma_semaphore, #tpu.memory_space<semaphore_mem>>
      %dma_start3A_353 = arith.constant 0 : i32
      %dma_start3A_354 = tpu.memref_slice %arg6[%select_n3A_306, %add3A_325, %dma_start3A_353] : memref<20x16384x128xf32, #tpu.memory_space<hbm>> -> memref<1x128x128xf32, #tpu.memory_space<hbm>>
      %dma_start3A_355 = tpu.memref_squeeze %dma_start3A_354 : memref<1x128x128xf32, #tpu.memory_space<hbm>> -> memref<128x128xf32, #tpu.memory_space<hbm>>
      %dma_start3A_356 = arith.constant 0 : i32
      %dma_start3A_357 = arith.constant 0 : i32
      %dma_start3A_358 = tpu.memref_slice %arg8[%select_n3A_213, %dma_start3A_356, %dma_start3A_357] : memref<6x128x128xf32, #tpu.memory_space<vmem>> -> memref<1x128x128xf32, #tpu.memory_space<vmem>>
      %dma_start3A_359 = tpu.memref_squeeze %dma_start3A_358 : memref<1x128x128xf32, #tpu.memory_space<vmem>> -> memref<128x128xf32, #tpu.memory_space<vmem>>
      tpu.enqueue_dma source(%dma_start3A_359 : memref<128x128xf32, #tpu.memory_space<vmem>>) target(%dma_start3A_355 : memref<128x128xf32, #tpu.memory_space<hbm>>) target_semaphore(%dma_start3A_352 : memref<!tpu.dma_semaphore, #tpu.memory_space<semaphore_mem>>)
      %add3A_360 = arith.constant 3 : i32
      %add3A_361 = arith.addi %scan3A_204, %add3A_360 : i32
      %jit3A_362 = arith.constant 6 : i32
      %eq3A_363 = arith.constant 0 : i32
      %eq3A_364 = arith.cmpi eq, %jit3A_362, %eq3A_363 : i32
      %jit3A_365 = arith.constant 1 : i32
      %select_n3A_366 = arith.select %eq3A_364, %jit3A_365, %jit3A_362 : i32
      %rem3A_367 = arith.remsi %add3A_361, %select_n3A_366 : i32
      %ne3A_368 = arith.constant 0 : i32
      %ne3A_369 = arith.cmpi ne, %rem3A_367, %ne3A_368 : i32
      %lt3A_370 = arith.constant 0 : i32
      %lt3A_371 = arith.cmpi slt, %rem3A_367, %lt3A_370 : i32
      %lt3A_372 = arith.constant 0 : i32
      %lt3A_373 = arith.cmpi slt, %select_n3A_366, %lt3A_372 : i32
      %ne3A_374 = arith.xori %lt3A_371, %lt3A_373 : i1
      %and3A_375 = arith.andi %ne3A_374, %ne3A_369 : i1
      %add3A_376 = arith.addi %rem3A_367, %select_n3A_366 : i32
      %select_n3A_377 = arith.select %and3A_375, %add3A_376, %rem3A_367 : i32
      %lt3A_378 = arith.constant 80 : i32
      %lt3A_379 = arith.cmpi slt, %add3A_361, %lt3A_378 : i32
      %convert_element_type3A = arith.extui %lt3A_379 : i1 to i32
      %cond3A = arith.constant 0 : i32
      %cond3A_380 = arith.cmpi ne, %convert_element_type3A, %cond3A : i32
      scf.if %cond3A_380 {
        %ge3A = arith.constant 6 : i32
        %ge3A_381 = arith.cmpi sge, %add3A_361, %ge3A : i32
        %convert_element_type3A_382 = arith.extui %ge3A_381 : i1 to i32
        %cond3A_383 = arith.constant 0 : i32
        %cond3A_384 = arith.cmpi ne, %convert_element_type3A_382, %cond3A_383 : i32
        scf.if %cond3A_384 {
          %sub3A_457 = arith.constant 6 : i32
          %sub3A_458 = arith.subi %add3A_361, %sub3A_457 : i32
          %jit3A_459 = arith.constant 4 : i32
          %div3A_460 = arith.divsi %sub3A_458, %jit3A_459 : i32
          %sign3A_461 = arith.constant 0 : i32
          %sign3A_462 = arith.cmpi sgt, %sub3A_458, %sign3A_461 : i32
          %sign3A_463 = arith.extui %sign3A_462 : i1 to i32
          %sign3A_464 = arith.constant 0 : i32
          %sign3A_465 = arith.cmpi slt, %sub3A_458, %sign3A_464 : i32
          %sign3A_466 = arith.extui %sign3A_465 : i1 to i32
          %sign3A_467 = arith.subi %sign3A_463, %sign3A_466 : i32
          %sign3A_468 = arith.constant 0 : i32
          %sign3A_469 = arith.cmpi sgt, %jit3A_459, %sign3A_468 : i32
          %sign3A_470 = arith.extui %sign3A_469 : i1 to i32
          %sign3A_471 = arith.constant 0 : i32
          %sign3A_472 = arith.cmpi slt, %jit3A_459, %sign3A_471 : i32
          %sign3A_473 = arith.extui %sign3A_472 : i1 to i32
          %sign3A_474 = arith.subi %sign3A_470, %sign3A_473 : i32
          %ne3A_475 = arith.cmpi ne, %sign3A_467, %sign3A_474 : i32
          %rem3A_476 = arith.remsi %sub3A_458, %jit3A_459 : i32
          %ne3A_477 = arith.constant 0 : i32
          %ne3A_478 = arith.cmpi ne, %rem3A_476, %ne3A_477 : i32
          %and3A_479 = arith.andi %ne3A_475, %ne3A_478 : i1
          %sub3A_480 = arith.constant 1 : i32
          %sub3A_481 = arith.subi %div3A_460, %sub3A_480 : i32
          %select_n3A_482 = arith.select %and3A_479, %sub3A_481, %div3A_460 : i32
          %jit3A_483 = arith.constant 4 : i32
          %eq3A_484 = arith.constant 0 : i32
          %eq3A_485 = arith.cmpi eq, %jit3A_483, %eq3A_484 : i32
          %jit3A_486 = arith.constant 1 : i32
          %select_n3A_487 = arith.select %eq3A_485, %jit3A_486, %jit3A_483 : i32
          %rem3A_488 = arith.remsi %sub3A_458, %select_n3A_487 : i32
          %ne3A_489 = arith.constant 0 : i32
          %ne3A_490 = arith.cmpi ne, %rem3A_488, %ne3A_489 : i32
          %lt3A_491 = arith.constant 0 : i32
          %lt3A_492 = arith.cmpi slt, %rem3A_488, %lt3A_491 : i32
          %lt3A_493 = arith.constant 0 : i32
          %lt3A_494 = arith.cmpi slt, %select_n3A_487, %lt3A_493 : i32
          %ne3A_495 = arith.xori %lt3A_492, %lt3A_494 : i1
          %and3A_496 = arith.andi %ne3A_495, %ne3A_490 : i1
          %add3A_497 = arith.addi %rem3A_488, %select_n3A_487 : i32
          %select_n3A_498 = arith.select %and3A_496, %add3A_497, %rem3A_488 : i32
          %mul3A_499 = arith.constant 128 : i32
          %mul3A_500 = arith.muli %select_n3A_498, %mul3A_499 : i32
          %add3A_501 = arith.addi %mul3A_2, %mul3A_500 : i32
          %jit3A_502 = arith.constant 4 : i32
          %eq3A_503 = arith.constant 0 : i32
          %eq3A_504 = arith.cmpi eq, %jit3A_502, %eq3A_503 : i32
          %jit3A_505 = arith.constant 1 : i32
          %select_n3A_506 = arith.select %eq3A_504, %jit3A_505, %jit3A_502 : i32
          %rem3A_507 = arith.remsi %sub3A_458, %select_n3A_506 : i32
          %ne3A_508 = arith.constant 0 : i32
          %ne3A_509 = arith.cmpi ne, %rem3A_507, %ne3A_508 : i32
          %lt3A_510 = arith.constant 0 : i32
          %lt3A_511 = arith.cmpi slt, %rem3A_507, %lt3A_510 : i32
          %lt3A_512 = arith.constant 0 : i32
          %lt3A_513 = arith.cmpi slt, %select_n3A_506, %lt3A_512 : i32
          %ne3A_514 = arith.xori %lt3A_511, %lt3A_513 : i1
          %and3A_515 = arith.andi %ne3A_514, %ne3A_509 : i1
          %add3A_516 = arith.addi %rem3A_507, %select_n3A_506 : i32
          %select_n3A_517 = arith.select %and3A_515, %add3A_516, %rem3A_507 : i32
          %mul3A_518 = arith.constant 128 : i32
          %mul3A_519 = arith.muli %select_n3A_517, %mul3A_518 : i32
          %dma_wait3A_520 = arith.constant 0 : i32
          %dma_wait3A_521 = arith.constant 0 : i32
          %dma_wait3A_522 = tpu.memref_slice %arg8[%select_n3A_377, %dma_wait3A_520, %dma_wait3A_521] : memref<6x128x128xf32, #tpu.memory_space<vmem>> -> memref<1x128x128xf32, #tpu.memory_space<vmem>>
          %dma_wait3A_523 = tpu.memref_squeeze %dma_wait3A_522 : memref<1x128x128xf32, #tpu.memory_space<vmem>> -> memref<128x128xf32, #tpu.memory_space<vmem>>
          %dma_wait3A_524 = arith.constant 0 : i32
          %dma_wait3A_525 = tpu.memref_slice %arg6[%select_n3A_482, %add3A_501, %dma_wait3A_524] : memref<20x16384x128xf32, #tpu.memory_space<hbm>> -> memref<1x128x128xf32, #tpu.memory_space<hbm>>
          %dma_wait3A_526 = tpu.memref_squeeze %dma_wait3A_525 : memref<1x128x128xf32, #tpu.memory_space<hbm>> -> memref<128x128xf32, #tpu.memory_space<hbm>>
          %dma_wait3A_527 = tpu.memref_slice %arg14[%select_n3A_377] : memref<6x!tpu.dma_semaphore, #tpu.memory_space<semaphore_mem>> -> memref<1x!tpu.dma_semaphore, #tpu.memory_space<semaphore_mem>>
          %dma_wait3A_528 = tpu.memref_squeeze %dma_wait3A_527 : memref<1x!tpu.dma_semaphore, #tpu.memory_space<semaphore_mem>> -> memref<!tpu.dma_semaphore, #tpu.memory_space<semaphore_mem>>
          %dma_wait3A_529 = arith.constant 0 : i32
          %dma_wait3A_530 = tpu.memref_slice %arg6[%select_n3A_482, %add3A_501, %dma_wait3A_529] : memref<20x16384x128xf32, #tpu.memory_space<hbm>> -> memref<1x128x128xf32, #tpu.memory_space<hbm>>
          %dma_wait3A_531 = tpu.memref_squeeze %dma_wait3A_530 : memref<1x128x128xf32, #tpu.memory_space<hbm>> -> memref<128x128xf32, #tpu.memory_space<hbm>>
          %dma_wait3A_532 = arith.constant 0 : i32
          %dma_wait3A_533 = arith.constant 0 : i32
          %dma_wait3A_534 = tpu.memref_slice %arg8[%select_n3A_377, %dma_wait3A_532, %dma_wait3A_533] : memref<6x128x128xf32, #tpu.memory_space<vmem>> -> memref<1x128x128xf32, #tpu.memory_space<vmem>>
          %dma_wait3A_535 = tpu.memref_squeeze %dma_wait3A_534 : memref<1x128x128xf32, #tpu.memory_space<vmem>> -> memref<128x128xf32, #tpu.memory_space<vmem>>
          tpu.wait_dma2 semaphore(%dma_wait3A_528 : memref<!tpu.dma_semaphore, #tpu.memory_space<semaphore_mem>>) src(%dma_wait3A_535 : memref<128x128xf32, #tpu.memory_space<vmem>>) dst(%dma_wait3A_531 : memref<128x128xf32, #tpu.memory_space<hbm>>)
        } else {
        }
        %jit3A_385 = arith.constant 4 : i32
        %div3A_386 = arith.divsi %add3A_361, %jit3A_385 : i32
        %sign3A_387 = arith.constant 0 : i32
        %sign3A_388 = arith.cmpi sgt, %add3A_361, %sign3A_387 : i32
        %sign3A_389 = arith.extui %sign3A_388 : i1 to i32
        %sign3A_390 = arith.constant 0 : i32
        %sign3A_391 = arith.cmpi slt, %add3A_361, %sign3A_390 : i32
        %sign3A_392 = arith.extui %sign3A_391 : i1 to i32
        %sign3A_393 = arith.subi %sign3A_389, %sign3A_392 : i32
        %sign3A_394 = arith.constant 0 : i32
        %sign3A_395 = arith.cmpi sgt, %jit3A_385, %sign3A_394 : i32
        %sign3A_396 = arith.extui %sign3A_395 : i1 to i32
        %sign3A_397 = arith.constant 0 : i32
        %sign3A_398 = arith.cmpi slt, %jit3A_385, %sign3A_397 : i32
        %sign3A_399 = arith.extui %sign3A_398 : i1 to i32
        %sign3A_400 = arith.subi %sign3A_396, %sign3A_399 : i32
        %ne3A_401 = arith.cmpi ne, %sign3A_393, %sign3A_400 : i32
        %rem3A_402 = arith.remsi %add3A_361, %jit3A_385 : i32
        %ne3A_403 = arith.constant 0 : i32
        %ne3A_404 = arith.cmpi ne, %rem3A_402, %ne3A_403 : i32
        %and3A_405 = arith.andi %ne3A_401, %ne3A_404 : i1
        %sub3A_406 = arith.constant 1 : i32
        %sub3A_407 = arith.subi %div3A_386, %sub3A_406 : i32
        %select_n3A_408 = arith.select %and3A_405, %sub3A_407, %div3A_386 : i32
        %jit3A_409 = arith.constant 4 : i32
        %eq3A_410 = arith.constant 0 : i32
        %eq3A_411 = arith.cmpi eq, %jit3A_409, %eq3A_410 : i32
        %jit3A_412 = arith.constant 1 : i32
        %select_n3A_413 = arith.select %eq3A_411, %jit3A_412, %jit3A_409 : i32
        %rem3A_414 = arith.remsi %add3A_361, %select_n3A_413 : i32
        %ne3A_415 = arith.constant 0 : i32
        %ne3A_416 = arith.cmpi ne, %rem3A_414, %ne3A_415 : i32
        %lt3A_417 = arith.constant 0 : i32
        %lt3A_418 = arith.cmpi slt, %rem3A_414, %lt3A_417 : i32
        %lt3A_419 = arith.constant 0 : i32
        %lt3A_420 = arith.cmpi slt, %select_n3A_413, %lt3A_419 : i32
        %ne3A_421 = arith.xori %lt3A_418, %lt3A_420 : i1
        %and3A_422 = arith.andi %ne3A_421, %ne3A_416 : i1
        %add3A_423 = arith.addi %rem3A_414, %select_n3A_413 : i32
        %select_n3A_424 = arith.select %and3A_422, %add3A_423, %rem3A_414 : i32
        %mul3A_425 = arith.constant 128 : i32
        %mul3A_426 = arith.muli %select_n3A_424, %mul3A_425 : i32
        %add3A_427 = arith.addi %mul3A_2, %mul3A_426 : i32
        %jit3A_428 = arith.constant 4 : i32
        %eq3A_429 = arith.constant 0 : i32
        %eq3A_430 = arith.cmpi eq, %jit3A_428, %eq3A_429 : i32
        %jit3A_431 = arith.constant 1 : i32
        %select_n3A_432 = arith.select %eq3A_430, %jit3A_431, %jit3A_428 : i32
        %rem3A_433 = arith.remsi %add3A_361, %select_n3A_432 : i32
        %ne3A_434 = arith.constant 0 : i32
        %ne3A_435 = arith.cmpi ne, %rem3A_433, %ne3A_434 : i32
        %lt3A_436 = arith.constant 0 : i32
        %lt3A_437 = arith.cmpi slt, %rem3A_433, %lt3A_436 : i32
        %lt3A_438 = arith.constant 0 : i32
        %lt3A_439 = arith.cmpi slt, %select_n3A_432, %lt3A_438 : i32
        %ne3A_440 = arith.xori %lt3A_437, %lt3A_439 : i1
        %and3A_441 = arith.andi %ne3A_440, %ne3A_435 : i1
        %add3A_442 = arith.addi %rem3A_433, %select_n3A_432 : i32
        %select_n3A_443 = arith.select %and3A_441, %add3A_442, %rem3A_433 : i32
        %mul3A_444 = arith.constant 128 : i32
        %mul3A_445 = arith.muli %select_n3A_443, %mul3A_444 : i32
        %dma_start3A_446 = arith.constant 0 : i32
        %dma_start3A_447 = arith.constant 0 : i32
        %dma_start3A_448 = tpu.memref_slice %arg8[%select_n3A_377, %dma_start3A_446, %dma_start3A_447] : memref<6x128x128xf32, #tpu.memory_space<vmem>> -> memref<1x128x128xf32, #tpu.memory_space<vmem>>
        %dma_start3A_449 = tpu.memref_squeeze %dma_start3A_448 : memref<1x128x128xf32, #tpu.memory_space<vmem>> -> memref<128x128xf32, #tpu.memory_space<vmem>>
        %dma_start3A_450 = tpu.memref_slice %arg7[%select_n3A_408, %mul3A_445] : memref<20x512xi32, #tpu.memory_space<vmem>> -> memref<1x128xi32, #tpu.memory_space<vmem>>
        %dma_start3A_451 = tpu.memref_squeeze %dma_start3A_450 : memref<1x128xi32, #tpu.memory_space<vmem>> -> memref<128xi32, #tpu.memory_space<vmem>>
        %dma_start3A_452 = arith.constant 0 : i32
        %dma_start3A_453 = arith.constant 0 : i32
        %dma_start3A_454 = tpu.memref_slice %arg12[%dma_start3A_452, %dma_start3A_453] : memref<1000x128xf32, #tpu.memory_space<vmem_shared>> -> memref<1000x128xf32, #tpu.memory_space<vmem_shared>>
        %dma_start3A_455 = tpu.memref_slice %arg13[%select_n3A_377] : memref<6x!tpu.dma_semaphore, #tpu.memory_space<semaphore_mem>> -> memref<1x!tpu.dma_semaphore, #tpu.memory_space<semaphore_mem>>
        %dma_start3A_456 = tpu.memref_squeeze %dma_start3A_455 : memref<1x!tpu.dma_semaphore, #tpu.memory_space<semaphore_mem>> -> memref<!tpu.dma_semaphore, #tpu.memory_space<semaphore_mem>>
        tpu.enqueue_indirect_dma source(%dma_start3A_454 : memref<1000x128xf32, #tpu.memory_space<vmem_shared>>) target(%dma_start3A_449 : memref<128x128xf32, #tpu.memory_space<vmem>>) offsets(%dma_start3A_451 : memref<128xi32, #tpu.memory_space<vmem>>) semaphore(%dma_start3A_456 : memref<!tpu.dma_semaphore, #tpu.memory_space<semaphore_mem>>)
      } else {
      }
    }
    %scan3A_78 = arith.constant 80 : i32
    %add3A_79 = arith.constant 256 : i32
    %add3A_80 = arith.addi %mul3A_2, %add3A_79 : i32
    %dma_wait3A = arith.constant 2 : i32
    %dma_wait3A_81 = arith.constant 18 : i32
    %dma_wait3A_82 = arith.constant 2 : i32
    %dma_wait3A_83 = arith.constant 0 : i32
    %dma_wait3A_84 = arith.constant 0 : i32
    %dma_wait3A_85 = tpu.memref_slice %arg8[%dma_wait3A, %dma_wait3A_83, %dma_wait3A_84] : memref<6x128x128xf32, #tpu.memory_space<vmem>> -> memref<1x128x128xf32, #tpu.memory_space<vmem>>
    %dma_wait3A_86 = tpu.memref_squeeze %dma_wait3A_85 : memref<1x128x128xf32, #tpu.memory_space<vmem>> -> memref<128x128xf32, #tpu.memory_space<vmem>>
    %dma_wait3A_87 = arith.constant 0 : i32
    %dma_wait3A_88 = tpu.memref_slice %arg6[%dma_wait3A_81, %add3A_80, %dma_wait3A_87] : memref<20x16384x128xf32, #tpu.memory_space<hbm>> -> memref<1x128x128xf32, #tpu.memory_space<hbm>>
    %dma_wait3A_89 = tpu.memref_squeeze %dma_wait3A_88 : memref<1x128x128xf32, #tpu.memory_space<hbm>> -> memref<128x128xf32, #tpu.memory_space<hbm>>
    %dma_wait3A_90 = tpu.memref_slice %arg14[%dma_wait3A_82] : memref<6x!tpu.dma_semaphore, #tpu.memory_space<semaphore_mem>> -> memref<1x!tpu.dma_semaphore, #tpu.memory_space<semaphore_mem>>
    %dma_wait3A_91 = tpu.memref_squeeze %dma_wait3A_90 : memref<1x!tpu.dma_semaphore, #tpu.memory_space<semaphore_mem>> -> memref<!tpu.dma_semaphore, #tpu.memory_space<semaphore_mem>>
    %dma_wait3A_92 = arith.constant 0 : i32
    %dma_wait3A_93 = tpu.memref_slice %arg6[%dma_wait3A_81, %add3A_80, %dma_wait3A_92] : memref<20x16384x128xf32, #tpu.memory_space<hbm>> -> memref<1x128x128xf32, #tpu.memory_space<hbm>>
    %dma_wait3A_94 = tpu.memref_squeeze %dma_wait3A_93 : memref<1x128x128xf32, #tpu.memory_space<hbm>> -> memref<128x128xf32, #tpu.memory_space<hbm>>
    %dma_wait3A_95 = arith.constant 0 : i32
    %dma_wait3A_96 = arith.constant 0 : i32
    %dma_wait3A_97 = tpu.memref_slice %arg8[%dma_wait3A, %dma_wait3A_95, %dma_wait3A_96] : memref<6x128x128xf32, #tpu.memory_space<vmem>> -> memref<1x128x128xf32, #tpu.memory_space<vmem>>
    %dma_wait3A_98 = tpu.memref_squeeze %dma_wait3A_97 : memref<1x128x128xf32, #tpu.memory_space<vmem>> -> memref<128x128xf32, #tpu.memory_space<vmem>>
    tpu.wait_dma2 semaphore(%dma_wait3A_91 : memref<!tpu.dma_semaphore, #tpu.memory_space<semaphore_mem>>) src(%dma_wait3A_98 : memref<128x128xf32, #tpu.memory_space<vmem>>) dst(%dma_wait3A_94 : memref<128x128xf32, #tpu.memory_space<hbm>>)
    %add3A_99 = arith.constant 384 : i32
    %add3A_100 = arith.addi %mul3A_2, %add3A_99 : i32
    %dma_wait3A_101 = arith.constant 3 : i32
    %dma_wait3A_102 = arith.constant 18 : i32
    %dma_wait3A_103 = arith.constant 3 : i32
    %dma_wait3A_104 = arith.constant 0 : i32
    %dma_wait3A_105 = arith.constant 0 : i32
    %dma_wait3A_106 = tpu.memref_slice %arg8[%dma_wait3A_101, %dma_wait3A_104, %dma_wait3A_105] : memref<6x128x128xf32, #tpu.memory_space<vmem>> -> memref<1x128x128xf32, #tpu.memory_space<vmem>>
    %dma_wait3A_107 = tpu.memref_squeeze %dma_wait3A_106 : memref<1x128x128xf32, #tpu.memory_space<vmem>> -> memref<128x128xf32, #tpu.memory_space<vmem>>
    %dma_wait3A_108 = arith.constant 0 : i32
    %dma_wait3A_109 = tpu.memref_slice %arg6[%dma_wait3A_102, %add3A_100, %dma_wait3A_108] : memref<20x16384x128xf32, #tpu.memory_space<hbm>> -> memref<1x128x128xf32, #tpu.memory_space<hbm>>
    %dma_wait3A_110 = tpu.memref_squeeze %dma_wait3A_109 : memref<1x128x128xf32, #tpu.memory_space<hbm>> -> memref<128x128xf32, #tpu.memory_space<hbm>>
    %dma_wait3A_111 = tpu.memref_slice %arg14[%dma_wait3A_103] : memref<6x!tpu.dma_semaphore, #tpu.memory_space<semaphore_mem>> -> memref<1x!tpu.dma_semaphore, #tpu.memory_space<semaphore_mem>>
    %dma_wait3A_112 = tpu.memref_squeeze %dma_wait3A_111 : memref<1x!tpu.dma_semaphore, #tpu.memory_space<semaphore_mem>> -> memref<!tpu.dma_semaphore, #tpu.memory_space<semaphore_mem>>
    %dma_wait3A_113 = arith.constant 0 : i32
    %dma_wait3A_114 = tpu.memref_slice %arg6[%dma_wait3A_102, %add3A_100, %dma_wait3A_113] : memref<20x16384x128xf32, #tpu.memory_space<hbm>> -> memref<1x128x128xf32, #tpu.memory_space<hbm>>
    %dma_wait3A_115 = tpu.memref_squeeze %dma_wait3A_114 : memref<1x128x128xf32, #tpu.memory_space<hbm>> -> memref<128x128xf32, #tpu.memory_space<hbm>>
    %dma_wait3A_116 = arith.constant 0 : i32
    %dma_wait3A_117 = arith.constant 0 : i32
    %dma_wait3A_118 = tpu.memref_slice %arg8[%dma_wait3A_101, %dma_wait3A_116, %dma_wait3A_117] : memref<6x128x128xf32, #tpu.memory_space<vmem>> -> memref<1x128x128xf32, #tpu.memory_space<vmem>>
    %dma_wait3A_119 = tpu.memref_squeeze %dma_wait3A_118 : memref<1x128x128xf32, #tpu.memory_space<vmem>> -> memref<128x128xf32, #tpu.memory_space<vmem>>
    tpu.wait_dma2 semaphore(%dma_wait3A_112 : memref<!tpu.dma_semaphore, #tpu.memory_space<semaphore_mem>>) src(%dma_wait3A_119 : memref<128x128xf32, #tpu.memory_space<vmem>>) dst(%dma_wait3A_115 : memref<128x128xf32, #tpu.memory_space<hbm>>)
    %add3A_120 = arith.constant 0 : i32
    %add3A_121 = arith.addi %mul3A_2, %add3A_120 : i32
    %dma_wait3A_122 = arith.constant 4 : i32
    %dma_wait3A_123 = arith.constant 19 : i32
    %dma_wait3A_124 = arith.constant 4 : i32
    %dma_wait3A_125 = arith.constant 0 : i32
    %dma_wait3A_126 = arith.constant 0 : i32
    %dma_wait3A_127 = tpu.memref_slice %arg8[%dma_wait3A_122, %dma_wait3A_125, %dma_wait3A_126] : memref<6x128x128xf32, #tpu.memory_space<vmem>> -> memref<1x128x128xf32, #tpu.memory_space<vmem>>
    %dma_wait3A_128 = tpu.memref_squeeze %dma_wait3A_127 : memref<1x128x128xf32, #tpu.memory_space<vmem>> -> memref<128x128xf32, #tpu.memory_space<vmem>>
    %dma_wait3A_129 = arith.constant 0 : i32
    %dma_wait3A_130 = tpu.memref_slice %arg6[%dma_wait3A_123, %add3A_121, %dma_wait3A_129] : memref<20x16384x128xf32, #tpu.memory_space<hbm>> -> memref<1x128x128xf32, #tpu.memory_space<hbm>>
    %dma_wait3A_131 = tpu.memref_squeeze %dma_wait3A_130 : memref<1x128x128xf32, #tpu.memory_space<hbm>> -> memref<128x128xf32, #tpu.memory_space<hbm>>
    %dma_wait3A_132 = tpu.memref_slice %arg14[%dma_wait3A_124] : memref<6x!tpu.dma_semaphore, #tpu.memory_space<semaphore_mem>> -> memref<1x!tpu.dma_semaphore, #tpu.memory_space<semaphore_mem>>
    %dma_wait3A_133 = tpu.memref_squeeze %dma_wait3A_132 : memref<1x!tpu.dma_semaphore, #tpu.memory_space<semaphore_mem>> -> memref<!tpu.dma_semaphore, #tpu.memory_space<semaphore_mem>>
    %dma_wait3A_134 = arith.constant 0 : i32
    %dma_wait3A_135 = tpu.memref_slice %arg6[%dma_wait3A_123, %add3A_121, %dma_wait3A_134] : memref<20x16384x128xf32, #tpu.memory_space<hbm>> -> memref<1x128x128xf32, #tpu.memory_space<hbm>>
    %dma_wait3A_136 = tpu.memref_squeeze %dma_wait3A_135 : memref<1x128x128xf32, #tpu.memory_space<hbm>> -> memref<128x128xf32, #tpu.memory_space<hbm>>
    %dma_wait3A_137 = arith.constant 0 : i32
    %dma_wait3A_138 = arith.constant 0 : i32
    %dma_wait3A_139 = tpu.memref_slice %arg8[%dma_wait3A_122, %dma_wait3A_137, %dma_wait3A_138] : memref<6x128x128xf32, #tpu.memory_space<vmem>> -> memref<1x128x128xf32, #tpu.memory_space<vmem>>
    %dma_wait3A_140 = tpu.memref_squeeze %dma_wait3A_139 : memref<1x128x128xf32, #tpu.memory_space<vmem>> -> memref<128x128xf32, #tpu.memory_space<vmem>>
    tpu.wait_dma2 semaphore(%dma_wait3A_133 : memref<!tpu.dma_semaphore, #tpu.memory_space<semaphore_mem>>) src(%dma_wait3A_140 : memref<128x128xf32, #tpu.memory_space<vmem>>) dst(%dma_wait3A_136 : memref<128x128xf32, #tpu.memory_space<hbm>>)
    %add3A_141 = arith.constant 128 : i32
    %add3A_142 = arith.addi %mul3A_2, %add3A_141 : i32
    %dma_wait3A_143 = arith.constant 5 : i32
    %dma_wait3A_144 = arith.constant 19 : i32
    %dma_wait3A_145 = arith.constant 5 : i32
    %dma_wait3A_146 = arith.constant 0 : i32
    %dma_wait3A_147 = arith.constant 0 : i32
    %dma_wait3A_148 = tpu.memref_slice %arg8[%dma_wait3A_143, %dma_wait3A_146, %dma_wait3A_147] : memref<6x128x128xf32, #tpu.memory_space<vmem>> -> memref<1x128x128xf32, #tpu.memory_space<vmem>>
    %dma_wait3A_149 = tpu.memref_squeeze %dma_wait3A_148 : memref<1x128x128xf32, #tpu.memory_space<vmem>> -> memref<128x128xf32, #tpu.memory_space<vmem>>
    %dma_wait3A_150 = arith.constant 0 : i32
    %dma_wait3A_151 = tpu.memref_slice %arg6[%dma_wait3A_144, %add3A_142, %dma_wait3A_150] : memref<20x16384x128xf32, #tpu.memory_space<hbm>> -> memref<1x128x128xf32, #tpu.memory_space<hbm>>
    %dma_wait3A_152 = tpu.memref_squeeze %dma_wait3A_151 : memref<1x128x128xf32, #tpu.memory_space<hbm>> -> memref<128x128xf32, #tpu.memory_space<hbm>>
    %dma_wait3A_153 = tpu.memref_slice %arg14[%dma_wait3A_145] : memref<6x!tpu.dma_semaphore, #tpu.memory_space<semaphore_mem>> -> memref<1x!tpu.dma_semaphore, #tpu.memory_space<semaphore_mem>>
    %dma_wait3A_154 = tpu.memref_squeeze %dma_wait3A_153 : memref<1x!tpu.dma_semaphore, #tpu.memory_space<semaphore_mem>> -> memref<!tpu.dma_semaphore, #tpu.memory_space<semaphore_mem>>
    %dma_wait3A_155 = arith.constant 0 : i32
    %dma_wait3A_156 = tpu.memref_slice %arg6[%dma_wait3A_144, %add3A_142, %dma_wait3A_155] : memref<20x16384x128xf32, #tpu.memory_space<hbm>> -> memref<1x128x128xf32, #tpu.memory_space<hbm>>
    %dma_wait3A_157 = tpu.memref_squeeze %dma_wait3A_156 : memref<1x128x128xf32, #tpu.memory_space<hbm>> -> memref<128x128xf32, #tpu.memory_space<hbm>>
    %dma_wait3A_158 = arith.constant 0 : i32
    %dma_wait3A_159 = arith.constant 0 : i32
    %dma_wait3A_160 = tpu.memref_slice %arg8[%dma_wait3A_143, %dma_wait3A_158, %dma_wait3A_159] : memref<6x128x128xf32, #tpu.memory_space<vmem>> -> memref<1x128x128xf32, #tpu.memory_space<vmem>>
    %dma_wait3A_161 = tpu.memref_squeeze %dma_wait3A_160 : memref<1x128x128xf32, #tpu.memory_space<vmem>> -> memref<128x128xf32, #tpu.memory_space<vmem>>
    tpu.wait_dma2 semaphore(%dma_wait3A_154 : memref<!tpu.dma_semaphore, #tpu.memory_space<semaphore_mem>>) src(%dma_wait3A_161 : memref<128x128xf32, #tpu.memory_space<vmem>>) dst(%dma_wait3A_157 : memref<128x128xf32, #tpu.memory_space<hbm>>)
    %add3A_162 = arith.constant 256 : i32
    %add3A_163 = arith.addi %mul3A_2, %add3A_162 : i32
    %dma_wait3A_164 = arith.constant 0 : i32
    %dma_wait3A_165 = arith.constant 19 : i32
    %dma_wait3A_166 = arith.constant 0 : i32
    %dma_wait3A_167 = arith.constant 0 : i32
    %dma_wait3A_168 = arith.constant 0 : i32
    %dma_wait3A_169 = tpu.memref_slice %arg8[%dma_wait3A_164, %dma_wait3A_167, %dma_wait3A_168] : memref<6x128x128xf32, #tpu.memory_space<vmem>> -> memref<1x128x128xf32, #tpu.memory_space<vmem>>
    %dma_wait3A_170 = tpu.memref_squeeze %dma_wait3A_169 : memref<1x128x128xf32, #tpu.memory_space<vmem>> -> memref<128x128xf32, #tpu.memory_space<vmem>>
    %dma_wait3A_171 = arith.constant 0 : i32
    %dma_wait3A_172 = tpu.memref_slice %arg6[%dma_wait3A_165, %add3A_163, %dma_wait3A_171] : memref<20x16384x128xf32, #tpu.memory_space<hbm>> -> memref<1x128x128xf32, #tpu.memory_space<hbm>>
    %dma_wait3A_173 = tpu.memref_squeeze %dma_wait3A_172 : memref<1x128x128xf32, #tpu.memory_space<hbm>> -> memref<128x128xf32, #tpu.memory_space<hbm>>
    %dma_wait3A_174 = tpu.memref_slice %arg14[%dma_wait3A_166] : memref<6x!tpu.dma_semaphore, #tpu.memory_space<semaphore_mem>> -> memref<1x!tpu.dma_semaphore, #tpu.memory_space<semaphore_mem>>
    %dma_wait3A_175 = tpu.memref_squeeze %dma_wait3A_174 : memref<1x!tpu.dma_semaphore, #tpu.memory_space<semaphore_mem>> -> memref<!tpu.dma_semaphore, #tpu.memory_space<semaphore_mem>>
    %dma_wait3A_176 = arith.constant 0 : i32
    %dma_wait3A_177 = tpu.memref_slice %arg6[%dma_wait3A_165, %add3A_163, %dma_wait3A_176] : memref<20x16384x128xf32, #tpu.memory_space<hbm>> -> memref<1x128x128xf32, #tpu.memory_space<hbm>>
    %dma_wait3A_178 = tpu.memref_squeeze %dma_wait3A_177 : memref<1x128x128xf32, #tpu.memory_space<hbm>> -> memref<128x128xf32, #tpu.memory_space<hbm>>
    %dma_wait3A_179 = arith.constant 0 : i32
    %dma_wait3A_180 = arith.constant 0 : i32
    %dma_wait3A_181 = tpu.memref_slice %arg8[%dma_wait3A_164, %dma_wait3A_179, %dma_wait3A_180] : memref<6x128x128xf32, #tpu.memory_space<vmem>> -> memref<1x128x128xf32, #tpu.memory_space<vmem>>
    %dma_wait3A_182 = tpu.memref_squeeze %dma_wait3A_181 : memref<1x128x128xf32, #tpu.memory_space<vmem>> -> memref<128x128xf32, #tpu.memory_space<vmem>>
    tpu.wait_dma2 semaphore(%dma_wait3A_175 : memref<!tpu.dma_semaphore, #tpu.memory_space<semaphore_mem>>) src(%dma_wait3A_182 : memref<128x128xf32, #tpu.memory_space<vmem>>) dst(%dma_wait3A_178 : memref<128x128xf32, #tpu.memory_space<hbm>>)
    %add3A_183 = arith.constant 384 : i32
    %add3A_184 = arith.addi %mul3A_2, %add3A_183 : i32
    %dma_wait3A_185 = arith.constant 1 : i32
    %dma_wait3A_186 = arith.constant 19 : i32
    %dma_wait3A_187 = arith.constant 1 : i32
    %dma_wait3A_188 = arith.constant 0 : i32
    %dma_wait3A_189 = arith.constant 0 : i32
    %dma_wait3A_190 = tpu.memref_slice %arg8[%dma_wait3A_185, %dma_wait3A_188, %dma_wait3A_189] : memref<6x128x128xf32, #tpu.memory_space<vmem>> -> memref<1x128x128xf32, #tpu.memory_space<vmem>>
    %dma_wait3A_191 = tpu.memref_squeeze %dma_wait3A_190 : memref<1x128x128xf32, #tpu.memory_space<vmem>> -> memref<128x128xf32, #tpu.memory_space<vmem>>
    %dma_wait3A_192 = arith.constant 0 : i32
    %dma_wait3A_193 = tpu.memref_slice %arg6[%dma_wait3A_186, %add3A_184, %dma_wait3A_192] : memref<20x16384x128xf32, #tpu.memory_space<hbm>> -> memref<1x128x128xf32, #tpu.memory_space<hbm>>
    %dma_wait3A_194 = tpu.memref_squeeze %dma_wait3A_193 : memref<1x128x128xf32, #tpu.memory_space<hbm>> -> memref<128x128xf32, #tpu.memory_space<hbm>>
    %dma_wait3A_195 = tpu.memref_slice %arg14[%dma_wait3A_187] : memref<6x!tpu.dma_semaphore, #tpu.memory_space<semaphore_mem>> -> memref<1x!tpu.dma_semaphore, #tpu.memory_space<semaphore_mem>>
    %dma_wait3A_196 = tpu.memref_squeeze %dma_wait3A_195 : memref<1x!tpu.dma_semaphore, #tpu.memory_space<semaphore_mem>> -> memref<!tpu.dma_semaphore, #tpu.memory_space<semaphore_mem>>
    %dma_wait3A_197 = arith.constant 0 : i32
    %dma_wait3A_198 = tpu.memref_slice %arg6[%dma_wait3A_186, %add3A_184, %dma_wait3A_197] : memref<20x16384x128xf32, #tpu.memory_space<hbm>> -> memref<1x128x128xf32, #tpu.memory_space<hbm>>
    %dma_wait3A_199 = tpu.memref_squeeze %dma_wait3A_198 : memref<1x128x128xf32, #tpu.memory_space<hbm>> -> memref<128x128xf32, #tpu.memory_space<hbm>>
    %dma_wait3A_200 = arith.constant 0 : i32
    %dma_wait3A_201 = arith.constant 0 : i32
    %dma_wait3A_202 = tpu.memref_slice %arg8[%dma_wait3A_185, %dma_wait3A_200, %dma_wait3A_201] : memref<6x128x128xf32, #tpu.memory_space<vmem>> -> memref<1x128x128xf32, #tpu.memory_space<vmem>>
    %dma_wait3A_203 = tpu.memref_squeeze %dma_wait3A_202 : memref<1x128x128xf32, #tpu.memory_space<vmem>> -> memref<128x128xf32, #tpu.memory_space<vmem>>
    tpu.wait_dma2 semaphore(%dma_wait3A_196 : memref<!tpu.dma_semaphore, #tpu.memory_space<semaphore_mem>>) src(%dma_wait3A_203 : memref<128x128xf32, #tpu.memory_space<vmem>>) dst(%dma_wait3A_199 : memref<128x128xf32, #tpu.memory_space<hbm>>)
    return
  }
}

</mosaic_0001>

<sc_bundles>
// kernel: kernel.3.cloned.1.call-start
scs
__scs_entry_jumppad:
0x0: {  	(pc) =	sbr.rel $0x88, $3  }
0x1: {  	(tag) =	ssettag $0x0;
	lr =	simm.s32 $0x1  }
0x2: {  	[smem:$0x3F9D] =	sst lr;
	_ =	strace $0xD0000000  }
0x3: {  	_ = 	snop  }
0x4: {  	_ = 	snop  }
0x5: {  	_ = 	snop  }
0x6: {  	_ = 	snop  }
0x7: {  	_ = 	snop  }
__scs_overlays_trampoline_lowered:
0x8: {  	[smem:$0x3FAC] =	sst s0  }
0x9: {  	[smem:$0x3FAD] =	sst s1  }
0xa: {  	[smem:$0x3FAE] =	sst s2  }
0xb: {  	[smem:$0x3FAF] =	sst s3  }
0xc: {  	[smem:$0x3FB0] =	sst s4  }
0xd: {  	[smem:$0x3FB1] =	sst s5  }
0xe: {  	[smem:$0x3FB2] =	sst s6  }
0xf: {  	[smem:$0x3FB3] =	sst s7  }
0x10: {  	[smem:$0x3FB4] =	sst s8  }
0x11: {  	[smem:$0x3FB5] =	sst s9;
	s0 =	simm.s32 @!p0 $0x0  }
0x12: {  	s1 =	sld [smem:$0x3F9B];
	s0 =	simm.s32 @p0 $0x1  }
0x13: {  	[smem:$0x3FB6] =	sst s0;
	s0 =	simm.s32 @!p1 $0x0  }
0x14: {  	s2 =	sld [smem:$0x3F9A];
	s0 =	simm.s32 @p1 $0x1  }
0x15: {  	[smem:$0x3FB7] =	sst s0;
	s0 =	simm.s32 @!p2 $0x0  }
0x16: {  	s3 =	sld [smem:$0x3FDB];
	s0 =	simm.s32 @p2 $0x1  }
0x17: {  	s4 =	simm.s32 $0x1BF5;
	[smem:$0x3FB9] =	sst s0  }
0x18: {  	s0 =	sld [smem:$0x3F9C];
	_ =	swait.ge [sflag:s4], $0x0  }
0x19: {  	s7 =	sld [smem:$0x3F9D]  }
0x1a: {  	s8 =	sadd.s32 $0xFFFFE003, lr  }
0x1b: {  	s9 =	sadd.s32 $0xFFFFFEF7, lr;
	s5 =	simm.s32 $0xFFFFFFFF;
	p2 =	slt.u32 s8, $0xFFFFF086  }
0x1c: {  	p1 =	slt.u32 s9, $0xF7A;
	s5 =	simm.s32 @!p2 $0x0  }
0x1d: {  	s5 =	simm.s32 @p1 $0x1;
	p0 =	seq.s32 s7, s2  }
0x1e: {  	s7 =	smul.u32 @!p0 $0xF7A, s2;
	p2 =	seq.s32 @!p0 s5, $0x0  }
0x1f: {  	s9 =	smul.u32 $0xF7A, s1;
	s8 =	simm.s32 @!p0 $0x1BF5;
	p2 =	por !p2, p0  }
0x20: {  	[sflag:s8] =	ssyncset.s32 @!p0 $0xFFFFF086;
	s6 =	sadd.s32 @!p0 s3, s7;
	s7 =	simm.s32 @!p0 $0x108  }
0x21: {  	s3 =	sadd.s32 s3, s9;
	s6 =	sadd.s32 @!p0 $0x88, s6;
	s7 =	simm.s32 @p2 $0x1082  }
0x22: {  	[simem:s7], [sflag:s8] =	dma.local @!p0 [hbm:s6], $0xF7A  }
0x23: {  	s9 =	sor.u32 $0xD0000000, s2;
	s6 =	simm.s32 $0x108;
	_ =	swait.ge @!p0 [sflag:s8], $0x0  }
0x24: {  	s3 =	sadd.s32 $0x88, s3;
	s6 =	simm.s32 @!p1 $0x1082;
	[sflag:s4] =	ssyncset.s32 $0xFFFFF086  }
0x25: {  	[simem:s6], [sflag:s4] =	dma.local [hbm:s3], $0xF7A  }
0x26: {  	[smem:$0x3F9D] =	sst s1;
	(tag) =	ssettag s2;
	_ =	strace s9  }
0x27: {  	s1 =	sld [smem:$0x3FAD]  }
0x28: {  	s2 =	sld [smem:$0x3FAE]  }
0x29: {  	s4 =	sld [smem:$0x3FB0]  }
0x2a: {  	p0 =	seq.s32 s5, $0x0;
	s5 =	sld [smem:$0x3FB1]  }
0x2b: {  	s6 =	sld [smem:$0x3FB2]  }
0x2c: {  	s7 =	sld [smem:$0x3FB3]  }
0x2d: {  	s3 =	simm.s32 $0x108;
	s8 =	sld [smem:$0x3FB4]  }
0x2e: {  	s3 =	simm.s32 @!p0 $0x1082;
	s9 =	sld [smem:$0x3FB5]  }
0x2f: {  	lr =	sadd.s32 s0, s3;
	s0 =	sld [smem:$0x3FAC]  }
0x30: {  	s3 =	sld [smem:$0x3FAF]  }
0x31: {  	[smem:$0x3FB8] =	sst s10  }
0x32: {  	s10 =	sld [smem:$0x3FB6];
	_ =	sdelay $0x3  }
0x33: {  	p0 =	seq.s32 s10, $0x1;
	s10 =	sld [smem:$0x3FB8];
	_ =	sdelay $0x3  }
0x34: {  	[smem:$0x3FB8] =	sst s10  }
0x35: {  	s10 =	sld [smem:$0x3FB7];
	_ =	sdelay $0x3  }
0x36: {  	p1 =	seq.s32 s10, $0x1;
	s10 =	sld [smem:$0x3FB8];
	_ =	sdelay $0x3  }
0x37: {  	[smem:$0x3FB8] =	sst s10  }
0x38: {  	s10 =	sld [smem:$0x3FB9]  }
0x39: {  	_ = 	snop;
	(pc) =	sbr.ind lr, $3  }
0x3a: {  	_ = 	snop  }
0x3b: {  	_ = 	snop  }
0x3c: {  	p2 =	seq.s32 s10, $0x1;
	s10 =	sld [smem:$0x3FB8]  }
0x3d: {  	_ =	shalt  }
0x3e: {  	_ =	shalt  }
0x3f: {  	_ =	shalt  }
0x40: {  	_ =	shalt  }
0x41: {  	_ =	shalt  }
0x42: {  	_ =	shalt  }
0x43: {  	_ =	shalt  }
0x44: {  	_ =	shalt  }
0x45: {  	_ =	shalt  }
0x46: {  	_ =	shalt  }
0x47: {  	_ =	shalt  }
0x48: {  	_ =	shalt  }
0x49: {  	_ =	shalt  }
0x4a: {  	_ =	shalt  }
0x4b: {  	_ =	shalt  }
0x4c: {  	_ =	shalt  }
0x4d: {  	_ =	shalt  }
0x4e: {  	_ =	shalt  }
0x4f: {  	_ =	shalt  }
0x50: {  	_ =	shalt  }
0x51: {  	_ =	shalt  }
0x52: {  	_ =	shalt  }
0x53: {  	_ =	shalt  }
0x54: {  	_ =	shalt  }
0x55: {  	_ =	shalt  }
0x56: {  	_ =	shalt  }
0x57: {  	_ =	shalt  }
0x58: {  	_ =	shalt  }
0x59: {  	_ =	shalt  }
0x5a: {  	_ =	shalt  }
0x5b: {  	_ =	shalt  }
0x5c: {  	_ =	shalt  }
0x5d: {  	_ =	shalt  }
0x5e: {  	_ =	shalt  }
0x5f: {  	_ =	shalt  }
0x60: {  	_ =	shalt  }
0x61: {  	_ =	shalt  }
0x62: {  	_ =	shalt  }
0x63: {  	_ =	shalt  }
0x64: {  	_ =	shalt  }
0x65: {  	_ =	shalt  }
0x66: {  	_ =	shalt  }
0x67: {  	_ =	shalt  }
0x68: {  	_ =	shalt  }
0x69: {  	_ =	shalt  }
0x6a: {  	_ =	shalt  }
0x6b: {  	_ =	shalt  }
0x6c: {  	_ =	shalt  }
0x6d: {  	_ =	shalt  }
0x6e: {  	_ =	shalt  }
0x6f: {  	_ =	shalt  }
0x70: {  	_ =	shalt  }
0x71: {  	_ =	shalt  }
0x72: {  	_ =	shalt  }
0x73: {  	_ =	shalt  }
0x74: {  	_ =	shalt  }
0x75: {  	_ =	shalt  }
0x76: {  	_ =	shalt  }
0x77: {  	_ =	shalt  }
0x78: {  	_ =	shalt  }
0x79: {  	_ =	shalt  }
0x7a: {  	_ =	shalt  }
0x7b: {  	_ =	shalt  }
0x7c: {  	_ =	shalt  }
0x7d: {  	_ =	shalt  }
0x7e: {  	_ =	shalt  }
0x7f: {  	_ =	shalt  }
0x80: {  	_ =	shalt  }
0x81: {  	_ =	shalt  }
0x82: {  	_ =	shalt  }
0x83: {  	_ =	shalt  }
0x84: {  	_ =	shalt  }
0x85: {  	_ =	shalt  }
0x86: {  	_ =	shalt  }
0x87: {  	_ =	shalt  }
.Lfunc_end0:
.L_simem_size_0:
called_computation_lowered:
.L_overlay_start_0:
0x88: {  	s2 =	sld [smem:$0x3FD9]  }
0x89: {  	s3 =	sld [smem:$0x3FFE];
	_ =	sdelay $0x1  }
0x8a: {  	s1 =	srdreg.scid  }
0x8b: {  	s0 =	sand.u32 $0x1, s1  }
0x8c: {  	s18 =	sshll.u32 s0, $0xA;
	s2 =	sadd.s32 s3, s2  }
0x8d: {  	s2 =	sadd.s32 s2, s18  }
0x8e: {  	[smem:$0x3FC4] =	sst s2  }
0x8f: {  	_ = 	snop  }
0x90: {  	s2 =	sld [smem:$0x3FC9]  }
0x91: {  	s19 =	sld [smem:$0x3FC8]  }
0x92: {  	s4 =	sld [smem:$0x3FC7]  }
0x93: {  	s5 =	sld [smem:$0x3FC6]  }
0x94: {  	s6 =	sld [smem:$0x3FD0];
	(tm) =	ssettm $0x1  }
0x95: {  	s7 =	sld [smem:$0x3FFB];
	_ =	sdelay $0x3  }
0x96: {  	_ =	strace s7  }
0x97: {  	s7 =	sld [smem:$0x3FFC];
	_ =	sdelay $0x3  }
0x98: {  	_ =	strace s7  }
0x99: {  	s7 =	sld [smem:$0x3FFD];
	_ =	sdelay $0x3  }
0x9a: {  	_ =	strace s7  }
0x9b: {  	_ =	strace $0x8FFFFFFF  }
0x9c: {  	s20 =	sld [smem:$0x3FDB];
	_ =	sdelay $0x1  }
0x9d: {  	s8 =	simm.s32 $_scs_section_size  }
0x9e: {  	s9 =	simm.s32 $_size__tile_overlayer_lowered;
	s10 =	simm.s32 $_tile_overlayer_lowered  }
0x9f: {  	s23 =	simm.s32 $0x1BFF;
	s22 =	sshll.u32 s10, $0x1;
	s7 =	sadd.s32 s8, s20  }
0xa0: {  	s11 =	simm.s32 $0x0;
	s21 =	sshll.u32 s9, $0x1;
	s9 =	sadd.s32 s22, s7  }
0xa1: {  	[timem:s11], [sflag:s23] =	dma.local [hbm:s9], s21  }
0xa2: {  	_ =	swait.ge [sflag:s23], s21  }
0xa3: {  	s8 =	ssub.s32 $0x0, s21;
	[sflag:s23] =	ssyncset.done $0x0  }
0xa4: {  	[sflag:s23] =	ssyncadd.s32 s8;
	_ =	sdelay $0x1  }
0xa5: {  	s24 =	simm.s32 $0x1B8B  }
0xa6: {  	_ =	swait.ge [sflag:s24], $0x1  }
0xa7: {  	[sflag:s24] =	ssyncset.done $0x0  }
0xa8: {  	s25 =	simm.s32 $0x1B8E;
	[sflag:s24] =	ssyncadd.s32 $0xFFFFFFFF  }
0xa9: {  	s26 =	simm.s32 $execute0_lowered;
	[smem:$0x3FD2] =	sst s25  }
0xaa: {  	s8 =	sshll.u32 s26, $0x1;
	_ =	strace $0x80000046;
	[dreg:$0x1] =	wrdreg $0xFFFFFFFF  }
0xab: {  	s28 =	simm.s32 $_size_execute0_lowered;
	s7 =	sadd.s32 s7, s8;
	[dreg:$0x0] =	wrdreg $0x0  }
0xac: {  	s8 =	sshll.u32 s28, $0x1;
	[dreg:$0x2] =	wrdreg s7  }
0xad: {  	[dreg:$0x3] =	wrdreg s8  }
0xae: {  	[dreg:$0x4] =	wrdreg $0xC0  }
0xaf: {  	_ =	task [dreg:s11], $0x5FFFF  }
0xb0: {  	[dreg:$0x1] =	wrdreg $0xFFFFFFFF  }
0xb1: {  	[dreg:$0x0] =	wrdreg $0x60  }
0xb2: {  	[dreg:$0x2] =	wrdreg s19  }
0xb3: {  	[dreg:$0x3] =	wrdreg s4  }
0xb4: {  	[dreg:$0x4] =	wrdreg s5  }
0xb5: {  	[dreg:$0x5] =	wrdreg s2  }
0xb6: {  	[dreg:$0x6] =	wrdreg s6  }
0xb7: {  	[dreg:$0x7] =	wrdreg $0x1C1000  }
0xb8: {  	[dreg:$0x8] =	wrdreg $0x9  }
0xb9: {  	_ =	task.clear_ibuf [dreg:s11], $0x9FFFF;
	_ =	strace $0x90000046  }
0xba: {  	s29 =	simm.s32 $0x9;
	_ =	strace $0x80000048  }
0xbb: {  	_ =	swait.ge [sflag:s29], $0x1  }
0xbc: {  	[sflag:s29] =	ssyncadd.s32 $0xFFFFFFFF  }
0xbd: {  	_ =	strace $0x90000048  }
0xbe: {  	_ =	sfence  }
0xbf: {  	s30 =	sld [smem:$0x0];
	_ =	sdelay $0x2  }
0xc0: {  	s31 =	sshll.u32 s1, $0xD;
	s1 =	sshrl.u32 s1, $0x2  }
0xc1: {  	s3 =	sand.u32 $0x4000, s31;
	s1 =	sadd.s32 s1, s30  }
0xc2: {  	s0 =	sor.u32 s3, s0;
	s1 =	sshll.u32 s1, $0x11  }
0xc3: {  	s0 =	sor.u32 s1, s0  }
0xc4: {  	s0 =	sadd.s32 $0x8F2B, s0  }
0xc5: {  	[sflag:s0] =	ssyncadd.remote.s32 $0x1  }
0xc6: {  	_ =	sfence.sel $0xFFFF  }
0xc7: {  	[dreg:$0x0] =	wrdreg $0xFFFFFFFF;
	(pc) =	sbr.abs _section_cstart, $3  }
0xc8: {  	[dreg:$0x1] =	wrdreg $0xFFFFFFFF  }
0xc9: {  	_ =	task.clear_ibuf [dreg:s11], $0x2FFFF;
	_ =	strace $0x9FFFFFFF  }
0xca: {  	(tm) =	ssettm $0x7FFFFFFF  }
0xcb: {  	_ =	shalt  }
tec
execute0_lowered:
.L_overlay_start_1:
0x0: {  	(tag) =	ssettag $0x1  }
0x1: {  	s0 =	rddreg [dreg:$0x0]  }
0x2: {  	s1 =	rddreg [dreg:$0x3]  }
0x3: {  	s2 =	rddreg [dreg:$0x4]  }
0x4: {  	s3 =	rddreg [dreg:$0x5]  }
0x5: {  	s21 =	srdreg.scid;
	s4 =	simm.s32 $0x0;
	s8 =	stileid.u32  }
0x6: {  	s14 =	simm.s32 $0xD;
	s18 =	simm.s32 $0x1B000;
	s19 =	simm.s32 $0x80  }
0x7: {  	s28 =	simm.s32 $0xB;
	s29 =	simm.s32 $0xC;
	s30 =	simm.s32 $0x7  }
0x8: {  	s31 =	simm.s32 $0x8;
	[dreg:$0x7] =	wrdreg s2;
	s2 =	sand.u32 $0x1, s21  }
0x9: {  	[smem:$0x7FF] =	sst s4;
	s7 =	sshll.u32 s8, $0xA;
	s8 =	sshll.u32 s8, $0x6  }
0xa: {  	s5 =	ssub.s32 $0x2, s2;
	_ =	strace $0x80000047;
	s22 =	smin.u32 s8, $0x3A8  }
0xb: {  	s2 =	sshll.u32 s2, $0x9;
	s6 =	sshrl.u32 s5, $0x1;
	s23 =	sshll.u32 s22, $0x4  }
0xc: {  	s11 =	sadd.s32 $0x20, s22;
	s24 =	sshll.u32 s22, $0x7;
	s5 =	ssub.s32 s5, s6  }
0xd: {  	s6 =	sor.u32 s2, s7;
	s25 =	sshll.u32 s11, $0x4;
	s26 =	sshll.u32 s11, $0x7  }
0xe: {  	s1 =	sadd.s32 s1, s6;
	s10 =	sadd.s32 s0, s25;
	s11 =	sadd.s32 s26, s3  }
0xf: {  	s12 =	smax.u32 s5, $0x1;
	[dreg:$0x8] =	wrdreg s1;
	s1 =	sadd.s32 s0, s23  }
0x10: {  	s25 =	simm.s32 $0x9;
	[dreg:$0x9] =	wrdreg s1;
	s1 =	sadd.s32 s24, s3  }
0x11: {  	s26 =	simm.s32 $0xA;
	[dreg:$0xa] =	wrdreg s1;
	s1 =	simm.s32 $0x0  }
.LBB2_1:
0x12: {  	s0 =	rddreg [dreg:$0x1];
	s2 =	simm.s32 $0x1C000  }
0x13: {  	[tilespmem:s2], [sflag:$0xD] =	stream.linear.gather [hbm4b:s0+s4], $0x80, $0x38;
	[tilespmem:$0x1E040] =	vst v63  }
0x14: {  	_ =	swait.ge [sflag:s14], $0x80  }
0x15: {  	[sflag:s14] =	ssyncset.done $0x0  }
0x16: {  	[sflag:s14] =	ssyncadd.s32 $0xFFFFFF80  }
0x17: {  	s21 =	simm.s32 $0x1C080;
	s20 =	rddreg [dreg:$0x2]  }
0x18: {  	[tilespmem:s21], [sflag:$0xD] =	stream.linear.gather [hbm4b:s20+s4], $0x80, $0x38;
	[tilespmem:$0x1E040] =	vst v63  }
0x19: {  	_ =	swait.ge [sflag:s14], $0x80  }
0x1a: {  	s23 =	simm.s32 $0x1000;
	[sflag:s14] =	ssyncset.done $0x0  }
0x1b: {  	s5 =	simm.s32 $0x20000;
	s22 =	rddreg [dreg:$0x8];
	[sflag:s14] =	ssyncadd.s32 $0xFFFFFF80  }
0x1c: {  	[tilespmem:s4], [sflag:$0xD] =	stream.strided.gather [hbm4b:s22+s23], $0x3000, s5, s23, $0x38;
	[tilespmem:$0x1E040] =	vst v63  }
0x1d: {  	_ =	swait.ge [sflag:s14], $0x3000  }
0x1e: {  	[sflag:s14] =	ssyncset.done $0x0  }
0x1f: {  	s24 =	rddreg [dreg:$0x9];
	[sflag:s14] =	ssyncadd.s32 $0xFFFFD000  }
0x20: {  	[tilespmem:s18], [sflag:$0xD] =	stream.linear.gather [hbm4b:s24+s4], $0x1000, $0x38;
	[tilespmem:$0x1E040] =	vst v63  }
0x21: {  	_ =	swait.ge [sflag:s14], $0x1000  }
0x22: {  	[sflag:s14] =	ssyncset.done $0x0  }
0x23: {  	s5 =	simm.s32 $0x0;
	[sflag:s14] =	ssyncadd.s32 $0xFFFFF000  }
0x24: {  	v0 =	vld [tilespmem:s5+$0x1B000]  }
0x25: {  	v1 =	vld [tilespmem:s5+$0x1B010];
	_ =	sdelay $0x1  }
0x26: {  	v2 =	vld [tilespmem:s5+$0x1B020];
	_ =	sdelay $0x1  }
0x27: {  	v3 =	vld [tilespmem:s5+$0x1B030]  }
0x28: {  	v4 =	vadd.f32 v1, v0  }
0x29: {  	v5 =	vld [tilespmem:s5+$0x1B040]  }
0x2a: {  	v4 =	vadd.f32 v2, v4  }
0x2b: {  	v6 =	vld [tilespmem:s5+$0x1B050]  }
0x2c: {  	v4 =	vadd.f32 v3, v4  }
0x2d: {  	v7 =	vld [tilespmem:s5+$0x1B060]  }
0x2e: {  	v4 =	vadd.f32 v5, v4  }
0x2f: {  	v8 =	vld [tilespmem:s5+$0x1B070]  }
0x30: {  	v4 =	vadd.f32 v6, v4;
	_ =	sdelay $0x1  }
0x31: {  	v4 =	vadd.f32 v7, v4;
	_ =	sdelay $0x1  }
0x32: {  	v4 =	vadd.f32 v8, v4;
	_ =	sdelay $0x1  }
0x33: {  	(xrf2) =	vadd.scan.msk.f32 $0xffff, v4;
	_ =	sdelay $0x9  }
0x34: {  	v4, _, _ =	vpop (xrf2)  }
0x35: {  	v4 =	vmul.f32 $7.812500000e-03, v4;
	_ =	sdelay $0x1  }
0x36: {  	v4 =	vbroadcast v4, $0xF;
	_ =	sdelay $0x1  }
0x37: {  	v0 =	vsub.f32 v0, v4;
	v1 =	vsub.f32 v1, v4;
	_ =	sdelay $0x1  }
0x38: {  	v2 =	vsub.f32 v2, v4;
	v9 =	vmul.f32 v0, v0;
	v10 =	vmul.f32 v1, v1;
	_ =	sdelay $0x1  }
0x39: {  	v3 =	vsub.f32 v3, v4;
	v11 =	vmul.f32 v2, v2;
	v9 =	vadd.f32 v10, v9;
	_ =	sdelay $0x1  }
0x3a: {  	v5 =	vsub.f32 v5, v4;
	v10 =	vmul.f32 v3, v3;
	v9 =	vadd.f32 v9, v11;
	_ =	sdelay $0x1  }
0x3b: {  	v6 =	vsub.f32 v6, v4;
	v11 =	vmul.f32 v5, v5;
	v9 =	vadd.f32 v9, v10;
	_ =	sdelay $0x1  }
0x3c: {  	v7 =	vsub.f32 v7, v4;
	v10 =	vmul.f32 v6, v6;
	v9 =	vadd.f32 v9, v11;
	_ =	sdelay $0x1  }
0x3d: {  	v8 =	vsub.f32 v8, v4;
	v4 =	vmul.f32 v7, v7;
	v9 =	vadd.f32 v9, v10;
	_ =	sdelay $0x1  }
0x3e: {  	v10 =	vmul.f32 v8, v8;
	v4 =	vadd.f32 v9, v4;
	_ =	sdelay $0x1  }
0x3f: {  	v4 =	vadd.f32 v4, v10;
	_ =	sdelay $0x1  }
0x40: {  	(xrf2) =	vadd.scan.msk.f32 $0xffff, v4;
	_ =	sdelay $0x9  }
0x41: {  	v4, _, _ =	vpop (xrf2)  }
0x42: {  	v4 =	vmul.f32 $7.812500000e-03, v4;
	_ =	sdelay $0x1  }
0x43: {  	v4 =	vadd.f32 $9.999999740e-06, v4;
	_ =	sdelay $0x1  }
0x44: {  	v4 =	vbroadcast v4, $0xF;
	_ =	sdelay $0x1  }
0x45: {  	v9 =	vshra.s32 v4, $0x1;
	v4 =	vmul.f32 $5.000000000e-01, v4  }
0x46: {  	v9 =	vsub.s32 $0x5F3759DF, v9  }
0x47: {  	v10 =	vmul.f32 v9, v4;
	_ =	sdelay $0x1  }
0x48: {  	v10 =	vmul.f32 v9, v10;
	_ =	sdelay $0x1  }
0x49: {  	v10 =	vsub.f32 $1.500000000e+00, v10;
	_ =	sdelay $0x1  }
0x4a: {  	v9 =	vmul.f32 v9, v10;
	_ =	sdelay $0x1  }
0x4b: {  	v10 =	vmul.f32 v9, v4;
	_ =	sdelay $0x1  }
0x4c: {  	v10 =	vmul.f32 v10, v9;
	_ =	sdelay $0x1  }
0x4d: {  	v10 =	vsub.f32 $1.500000000e+00, v10;
	_ =	sdelay $0x1  }
0x4e: {  	v9 =	vmul.f32 v10, v9;
	_ =	sdelay $0x1  }
0x4f: {  	v10 =	vmul.f32 v9, v4;
	_ =	sdelay $0x1  }
0x50: {  	v10 =	vmul.f32 v10, v9;
	_ =	sdelay $0x1  }
0x51: {  	v10 =	vsub.f32 $1.500000000e+00, v10;
	_ =	sdelay $0x1  }
0x52: {  	v9 =	vmul.f32 v10, v9;
	_ =	sdelay $0x1  }
0x53: {  	v4 =	vmul.f32 v9, v4;
	_ =	sdelay $0x1  }
0x54: {  	v4 =	vmul.f32 v4, v9;
	_ =	sdelay $0x1  }
0x55: {  	v4 =	vsub.f32 $1.500000000e+00, v4  }
0x56: {  	v10 =	vld [tilespmem:$0x1C000]  }
0x57: {  	v9 =	vmul.f32 v4, v9  }
0x58: {  	v4 =	vld [tilespmem:$0x1C080]  }
0x59: {  	v0 =	vmul.f32 v9, v0;
	_ =	sdelay $0x1  }
0x5a: {  	v0 =	vmul.f32 v0, v10;
	_ =	sdelay $0x1  }
0x5b: {  	v0 =	vadd.f32 v0, v4;
	_ =	sdelay $0x1  }
0x5c: {  	[tilespmem:s5+$0x1B000] =	vst v0  }
0x5d: {  	v0 =	vld [tilespmem:$0x1C010];
	_ =	sdelay $0x1  }
0x5e: {  	v4 =	vld [tilespmem:$0x1C090]  }
0x5f: {  	v1 =	vmul.f32 v9, v1;
	_ =	sdelay $0x1  }
0x60: {  	v0 =	vmul.f32 v1, v0;
	_ =	sdelay $0x1  }
0x61: {  	v0 =	vadd.f32 v0, v4;
	_ =	sdelay $0x1  }
0x62: {  	[tilespmem:s5+$0x1B010] =	vst v0  }
0x63: {  	v0 =	vld [tilespmem:$0x1C020];
	_ =	sdelay $0x1  }
0x64: {  	v1 =	vld [tilespmem:$0x1C0A0]  }
0x65: {  	v2 =	vmul.f32 v9, v2;
	_ =	sdelay $0x1  }
0x66: {  	v0 =	vmul.f32 v2, v0;
	_ =	sdelay $0x1  }
0x67: {  	v0 =	vadd.f32 v0, v1;
	_ =	sdelay $0x1  }
0x68: {  	[tilespmem:s5+$0x1B020] =	vst v0  }
0x69: {  	v0 =	vld [tilespmem:$0x1C030];
	_ =	sdelay $0x1  }
0x6a: {  	v1 =	vld [tilespmem:$0x1C0B0]  }
0x6b: {  	v2 =	vmul.f32 v9, v3;
	_ =	sdelay $0x1  }
0x6c: {  	v0 =	vmul.f32 v2, v0;
	_ =	sdelay $0x1  }
0x6d: {  	v0 =	vadd.f32 v0, v1;
	_ =	sdelay $0x1  }
0x6e: {  	[tilespmem:s5+$0x1B030] =	vst v0  }
0x6f: {  	v0 =	vld [tilespmem:$0x1C040];
	_ =	sdelay $0x1  }
0x70: {  	v1 =	vld [tilespmem:$0x1C0C0]  }
0x71: {  	v2 =	vmul.f32 v9, v5;
	_ =	sdelay $0x1  }
0x72: {  	v0 =	vmul.f32 v2, v0;
	_ =	sdelay $0x1  }
0x73: {  	v0 =	vadd.f32 v0, v1;
	_ =	sdelay $0x1  }
0x74: {  	[tilespmem:s5+$0x1B040] =	vst v0  }
0x75: {  	v0 =	vld [tilespmem:$0x1C050];
	_ =	sdelay $0x1  }
0x76: {  	v1 =	vld [tilespmem:$0x1C0D0]  }
0x77: {  	v2 =	vmul.f32 v9, v6;
	_ =	sdelay $0x1  }
0x78: {  	v0 =	vmul.f32 v2, v0;
	_ =	sdelay $0x1  }
0x79: {  	v0 =	vadd.f32 v0, v1;
	_ =	sdelay $0x1  }
0x7a: {  	[tilespmem:s5+$0x1B050] =	vst v0  }
0x7b: {  	v0 =	vld [tilespmem:$0x1C060];
	_ =	sdelay $0x1  }
0x7c: {  	v1 =	vld [tilespmem:$0x1C0E0]  }
0x7d: {  	v2 =	vmul.f32 v9, v7;
	_ =	sdelay $0x1  }
0x7e: {  	s13 =	simm.s32 $0x80;
	v3 =	vmul.f32 v2, v0  }
0x7f: {  	v4 =	vld [tilespmem:s13+$0x1B020]  }
0x80: {  	v2 =	vld [tilespmem:s13+$0x1B000];
	v1 =	vadd.f32 v3, v1  }
0x81: {  	v3 =	vld [tilespmem:s13+$0x1B010]  }
0x82: {  	v0 =	vld [tilespmem:s13+$0x1B030];
	[tilespmem:s5+$0x1B060] =	vst v1  }
0x83: {  	v10 =	vld [tilespmem:$0x1C070];
	_ =	sdelay $0x1  }
0x84: {  	v7 =	vld [tilespmem:$0x1C0F0]  }
0x85: {  	v9 =	vmul.f32 v9, v8;
	v1 =	vld [tilespmem:s13+$0x1B060];
	v8 =	vadd.f32 v3, v2  }
0x86: {  	v6 =	vld [tilespmem:s13+$0x1B040]  }
0x87: {  	s0 =	simm.s32 $0x400;
	v5 =	vld [tilespmem:s13+$0x1B050];
	v8 =	vadd.f32 v4, v8;
	v9 =	vmul.f32 v9, v10  }
.LBB2_2:
0x88: {  	_ = 	snop  }
0x89: {  	p0 =	sne.s32 s0, $0x3E00;
	s2 =	smov.u32 s0;
	s0 =	sadd.s32 $0x200, s0;
	v8 =	vadd.f32 v0, v8;
	v7 =	vadd.f32 v9, v7  }
0x8a: {  	_ = 	snop  }
0x8b: {  	v8 =	vadd.f32 v6, v8;
	[tilespmem:s5+$0x1B070] =	vst v7;
	s5 =	smov.u32 s13  }
0x8c: {  	v7 =	vld [tilespmem:s5+$0x1B070]  }
0x8d: {  	v8 =	vadd.f32 v5, v8;
	_ =	sdelay $0x1  }
0x8e: {  	v8 =	vadd.f32 v1, v8;
	_ =	sdelay $0x1  }
0x8f: {  	v8 =	vadd.f32 v7, v8;
	_ =	sdelay $0x1  }
0x90: {  	(xrf2) =	vadd.scan.msk.f32 $0xffff, v8;
	_ =	sdelay $0x9  }
0x91: {  	v8, _, _ =	vpop (xrf2)  }
0x92: {  	v8 =	vmul.f32 $7.812500000e-03, v8;
	_ =	sdelay $0x1  }
0x93: {  	v8 =	vbroadcast v8, $0xF;
	_ =	sdelay $0x1  }
0x94: {  	v2 =	vsub.f32 v2, v8;
	v3 =	vsub.f32 v3, v8  }
0x95: {  	v4 =	vsub.f32 v4, v8;
	v0 =	vsub.f32 v0, v8  }
0x96: {  	v6 =	vsub.f32 v6, v8;
	v9 =	vmul.f32 v2, v2;
	v10 =	vmul.f32 v3, v3  }
0x97: {  	v5 =	vsub.f32 v5, v8;
	v1 =	vsub.f32 v1, v8;
	v11 =	vmul.f32 v4, v4  }
0x98: {  	v7 =	vsub.f32 v7, v8;
	v8 =	vadd.f32 v10, v9  }
0x99: {  	v9 =	vmul.f32 v0, v0  }
0x9a: {  	v8 =	vadd.f32 v8, v11  }
0x9b: {  	v10 =	vmul.f32 v6, v6  }
0x9c: {  	v8 =	vadd.f32 v8, v9  }
0x9d: {  	v9 =	vmul.f32 v5, v5  }
0x9e: {  	v8 =	vadd.f32 v8, v10  }
0x9f: {  	v10 =	vmul.f32 v1, v1  }
0xa0: {  	v8 =	vadd.f32 v8, v9  }
0xa1: {  	v9 =	vmul.f32 v7, v7  }
0xa2: {  	v8 =	vadd.f32 v8, v10;
	_ =	sdelay $0x1  }
0xa3: {  	v8 =	vadd.f32 v8, v9;
	_ =	sdelay $0x1  }
0xa4: {  	(xrf2) =	vadd.scan.msk.f32 $0xffff, v8;
	_ =	sdelay $0x9  }
0xa5: {  	v8, _, _ =	vpop (xrf2)  }
0xa6: {  	v8 =	vmul.f32 $7.812500000e-03, v8;
	_ =	sdelay $0x1  }
0xa7: {  	v8 =	vadd.f32 $9.999999740e-06, v8;
	_ =	sdelay $0x1  }
0xa8: {  	v8 =	vbroadcast v8, $0xF;
	_ =	sdelay $0x1  }
0xa9: {  	v9 =	vshra.s32 v8, $0x1;
	v8 =	vmul.f32 $5.000000000e-01, v8  }
0xaa: {  	v9 =	vsub.s32 $0x5F3759DF, v9  }
0xab: {  	v10 =	vmul.f32 v9, v8;
	_ =	sdelay $0x1  }
0xac: {  	v10 =	vmul.f32 v9, v10;
	_ =	sdelay $0x1  }
0xad: {  	v10 =	vsub.f32 $1.500000000e+00, v10;
	_ =	sdelay $0x1  }
0xae: {  	v9 =	vmul.f32 v9, v10;
	_ =	sdelay $0x1  }
0xaf: {  	v10 =	vmul.f32 v9, v8;
	_ =	sdelay $0x1  }
0xb0: {  	v10 =	vmul.f32 v10, v9;
	_ =	sdelay $0x1  }
0xb1: {  	v10 =	vsub.f32 $1.500000000e+00, v10;
	_ =	sdelay $0x1  }
0xb2: {  	v9 =	vmul.f32 v10, v9;
	_ =	sdelay $0x1  }
0xb3: {  	v10 =	vmul.f32 v9, v8;
	_ =	sdelay $0x1  }
0xb4: {  	v10 =	vmul.f32 v10, v9;
	_ =	sdelay $0x1  }
0xb5: {  	v10 =	vsub.f32 $1.500000000e+00, v10;
	_ =	sdelay $0x1  }
0xb6: {  	v9 =	vmul.f32 v10, v9;
	_ =	sdelay $0x1  }
0xb7: {  	v8 =	vmul.f32 v9, v8;
	_ =	sdelay $0x1  }
0xb8: {  	v8 =	vmul.f32 v8, v9;
	_ =	sdelay $0x1  }
0xb9: {  	v8 =	vsub.f32 $1.500000000e+00, v8;
	v10 =	vld [tilespmem:$0x1C000];
	_ =	sdelay $0x1  }
0xba: {  	v8 =	vmul.f32 v8, v9;
	v9 =	vld [tilespmem:$0x1C080];
	_ =	sdelay $0x1  }
0xbb: {  	v2 =	vmul.f32 v8, v2;
	v3 =	vmul.f32 v8, v3  }
0xbc: {  	v4 =	vmul.f32 v8, v4;
	v0 =	vmul.f32 v8, v0  }
0xbd: {  	v6 =	vmul.f32 v8, v6;
	v2 =	vmul.f32 v2, v10  }
0xbe: {  	v5 =	vmul.f32 v8, v5;
	v1 =	vmul.f32 v8, v1  }
0xbf: {  	v2 =	vadd.f32 v2, v9;
	v9 =	vmul.f32 v8, v7;
	_ =	sdelay $0x1  }
0xc0: {  	[tilespmem:s5+$0x1B000] =	vst v2  }
0xc1: {  	v2 =	vld [tilespmem:$0x1C010]  }
0xc2: {  	v7 =	vld [tilespmem:$0x1C090];
	_ =	sdelay $0x3  }
0xc3: {  	v2 =	vmul.f32 v3, v2;
	_ =	sdelay $0x1  }
0xc4: {  	v2 =	vadd.f32 v2, v7;
	_ =	sdelay $0x1  }
0xc5: {  	[tilespmem:s5+$0x1B010] =	vst v2  }
0xc6: {  	v2 =	vld [tilespmem:$0x1C020]  }
0xc7: {  	v3 =	vld [tilespmem:$0x1C0A0];
	_ =	sdelay $0x3  }
0xc8: {  	v2 =	vmul.f32 v4, v2;
	_ =	sdelay $0x1  }
0xc9: {  	v2 =	vadd.f32 v2, v3;
	_ =	sdelay $0x1  }
0xca: {  	[tilespmem:s5+$0x1B020] =	vst v2  }
0xcb: {  	v2 =	vld [tilespmem:$0x1C030]  }
0xcc: {  	v3 =	vld [tilespmem:$0x1C0B0];
	_ =	sdelay $0x3  }
0xcd: {  	v0 =	vmul.f32 v0, v2;
	_ =	sdelay $0x1  }
0xce: {  	v0 =	vadd.f32 v0, v3;
	_ =	sdelay $0x1  }
0xcf: {  	[tilespmem:s5+$0x1B030] =	vst v0  }
0xd0: {  	v0 =	vld [tilespmem:$0x1C040]  }
0xd1: {  	v2 =	vld [tilespmem:$0x1C0C0];
	_ =	sdelay $0x3  }
0xd2: {  	v0 =	vmul.f32 v6, v0;
	_ =	sdelay $0x1  }
0xd3: {  	v0 =	vadd.f32 v0, v2;
	_ =	sdelay $0x1  }
0xd4: {  	[tilespmem:s5+$0x1B040] =	vst v0  }
0xd5: {  	v0 =	vld [tilespmem:$0x1C050]  }
0xd6: {  	v2 =	vld [tilespmem:$0x1C0D0];
	_ =	sdelay $0x3  }
0xd7: {  	v0 =	vmul.f32 v5, v0;
	_ =	sdelay $0x1  }
0xd8: {  	v0 =	vadd.f32 v0, v2;
	_ =	sdelay $0x1  }
0xd9: {  	[tilespmem:s5+$0x1B050] =	vst v0  }
0xda: {  	v0 =	vld [tilespmem:$0x1C060]  }
0xdb: {  	v3 =	vld [tilespmem:$0x1C0E0];
	_ =	sdelay $0x3  }
0xdc: {  	s13 =	sshra.s32 s2, $0x2;
	v1 =	vmul.f32 v1, v0  }
0xdd: {  	v0 =	vld [tilespmem:s13+$0x1B030]  }
0xde: {  	v2 =	vld [tilespmem:s13+$0x1B000];
	v1 =	vadd.f32 v1, v3  }
0xdf: {  	v3 =	vld [tilespmem:s13+$0x1B010]  }
0xe0: {  	v4 =	vld [tilespmem:s13+$0x1B020];
	[tilespmem:s5+$0x1B060] =	vst v1  }
0xe1: {  	v10 =	vld [tilespmem:$0x1C070]  }
.Ltmp0:
0xe2: {  	v7 =	vld [tilespmem:$0x1C0F0];
	(pc) =	sbr.rel @p0 .LBB2_2-.Ltmp0, $3  }
0xe3: {  	v1 =	vld [tilespmem:s13+$0x1B060]  }
0xe4: {  	v6 =	vld [tilespmem:s13+$0x1B040];
	v8 =	vadd.f32 v3, v2;
	_ =	sdelay $0x1  }
0xe5: {  	v5 =	vld [tilespmem:s13+$0x1B050];
	v8 =	vadd.f32 v4, v8;
	v9 =	vmul.f32 v9, v10  }
0xe6: {  	_ = 	snop  }
0xe7: {  	v8 =	vadd.f32 v0, v8;
	v7 =	vadd.f32 v9, v7;
	_ =	sdelay $0x1  }
0xe8: {  	v8 =	vadd.f32 v6, v8;
	[tilespmem:s5+$0x1B070] =	vst v7  }
0xe9: {  	v7 =	vld [tilespmem:s13+$0x1B070]  }
0xea: {  	v8 =	vadd.f32 v5, v8;
	_ =	sdelay $0x1  }
0xeb: {  	v8 =	vadd.f32 v1, v8;
	_ =	sdelay $0x1  }
0xec: {  	v8 =	vadd.f32 v7, v8;
	_ =	sdelay $0x1  }
0xed: {  	(xrf2) =	vadd.scan.msk.f32 $0xffff, v8;
	_ =	sdelay $0x9  }
0xee: {  	v8, _, _ =	vpop (xrf2)  }
0xef: {  	v8 =	vmul.f32 $7.812500000e-03, v8;
	_ =	sdelay $0x1  }
0xf0: {  	v8 =	vbroadcast v8, $0xF;
	_ =	sdelay $0x1  }
0xf1: {  	v2 =	vsub.f32 v2, v8;
	v3 =	vsub.f32 v3, v8;
	_ =	sdelay $0x1  }
0xf2: {  	v4 =	vsub.f32 v4, v8;
	v9 =	vmul.f32 v2, v2;
	v10 =	vmul.f32 v3, v3;
	_ =	sdelay $0x1  }
0xf3: {  	v0 =	vsub.f32 v0, v8;
	v11 =	vmul.f32 v4, v4;
	v9 =	vadd.f32 v10, v9;
	_ =	sdelay $0x1  }
0xf4: {  	v6 =	vsub.f32 v6, v8;
	v10 =	vmul.f32 v0, v0;
	v9 =	vadd.f32 v9, v11;
	_ =	sdelay $0x1  }
0xf5: {  	v5 =	vsub.f32 v5, v8;
	v11 =	vmul.f32 v6, v6;
	v9 =	vadd.f32 v9, v10;
	_ =	sdelay $0x1  }
0xf6: {  	v1 =	vsub.f32 v1, v8;
	v10 =	vmul.f32 v5, v5;
	v9 =	vadd.f32 v9, v11;
	_ =	sdelay $0x1  }
0xf7: {  	v7 =	vsub.f32 v7, v8;
	v8 =	vmul.f32 v1, v1;
	v9 =	vadd.f32 v9, v10;
	_ =	sdelay $0x1  }
0xf8: {  	v10 =	vmul.f32 v7, v7;
	v8 =	vadd.f32 v9, v8;
	_ =	sdelay $0x1  }
0xf9: {  	v8 =	vadd.f32 v8, v10;
	_ =	sdelay $0x1  }
0xfa: {  	(xrf2) =	vadd.scan.msk.f32 $0xffff, v8;
	_ =	sdelay $0x9  }
0xfb: {  	v8, _, _ =	vpop (xrf2)  }
0xfc: {  	v8 =	vmul.f32 $7.812500000e-03, v8;
	_ =	sdelay $0x1  }
0xfd: {  	v8 =	vadd.f32 $9.999999740e-06, v8;
	_ =	sdelay $0x1  }
0xfe: {  	v8 =	vbroadcast v8, $0xF;
	_ =	sdelay $0x1  }
0xff: {  	v9 =	vshra.s32 v8, $0x1;
	v8 =	vmul.f32 $5.000000000e-01, v8  }
0x100: {  	v9 =	vsub.s32 $0x5F3759DF, v9  }
0x101: {  	v10 =	vmul.f32 v9, v8;
	_ =	sdelay $0x1  }
0x102: {  	v10 =	vmul.f32 v9, v10;
	_ =	sdelay $0x1  }
0x103: {  	v10 =	vsub.f32 $1.500000000e+00, v10;
	_ =	sdelay $0x1  }
0x104: {  	v9 =	vmul.f32 v9, v10;
	_ =	sdelay $0x1  }
0x105: {  	v10 =	vmul.f32 v9, v8;
	_ =	sdelay $0x1  }
0x106: {  	v10 =	vmul.f32 v10, v9;
	_ =	sdelay $0x1  }
0x107: {  	v10 =	vsub.f32 $1.500000000e+00, v10;
	_ =	sdelay $0x1  }
0x108: {  	v9 =	vmul.f32 v10, v9;
	_ =	sdelay $0x1  }
0x109: {  	v10 =	vmul.f32 v9, v8;
	_ =	sdelay $0x1  }
0x10a: {  	v10 =	vmul.f32 v10, v9;
	_ =	sdelay $0x1  }
0x10b: {  	v10 =	vsub.f32 $1.500000000e+00, v10;
	_ =	sdelay $0x1  }
0x10c: {  	v9 =	vmul.f32 v10, v9;
	_ =	sdelay $0x1  }
0x10d: {  	v8 =	vmul.f32 v9, v8;
	_ =	sdelay $0x1  }
0x10e: {  	v8 =	vmul.f32 v8, v9;
	_ =	sdelay $0x1  }
0x10f: {  	v8 =	vsub.f32 $1.500000000e+00, v8  }
0x110: {  	v10 =	vld [tilespmem:$0x1C000]  }
0x111: {  	v8 =	vmul.f32 v8, v9  }
0x112: {  	v9 =	vld [tilespmem:$0x1C080]  }
0x113: {  	v2 =	vmul.f32 v8, v2;
	_ =	sdelay $0x1  }
0x114: {  	v2 =	vmul.f32 v2, v10;
	_ =	sdelay $0x1  }
0x115: {  	v2 =	vadd.f32 v2, v9;
	_ =	sdelay $0x1  }
0x116: {  	[tilespmem:s13+$0x1B000] =	vst v2  }
0x117: {  	v2 =	vld [tilespmem:$0x1C010];
	_ =	sdelay $0x1  }
0x118: {  	v9 =	vld [tilespmem:$0x1C090]  }
0x119: {  	v3 =	vmul.f32 v8, v3;
	_ =	sdelay $0x1  }
0x11a: {  	v2 =	vmul.f32 v3, v2;
	_ =	sdelay $0x1  }
0x11b: {  	v2 =	vadd.f32 v2, v9;
	_ =	sdelay $0x1  }
0x11c: {  	[tilespmem:s13+$0x1B010] =	vst v2  }
0x11d: {  	v2 =	vld [tilespmem:$0x1C020];
	_ =	sdelay $0x1  }
0x11e: {  	v3 =	vld [tilespmem:$0x1C0A0]  }
0x11f: {  	v4 =	vmul.f32 v8, v4;
	_ =	sdelay $0x1  }
0x120: {  	v2 =	vmul.f32 v4, v2;
	_ =	sdelay $0x1  }
0x121: {  	v2 =	vadd.f32 v2, v3;
	_ =	sdelay $0x1  }
0x122: {  	[tilespmem:s13+$0x1B020] =	vst v2  }
0x123: {  	v2 =	vld [tilespmem:$0x1C030];
	_ =	sdelay $0x1  }
0x124: {  	v3 =	vld [tilespmem:$0x1C0B0]  }
0x125: {  	v0 =	vmul.f32 v8, v0;
	_ =	sdelay $0x1  }
0x126: {  	v0 =	vmul.f32 v0, v2;
	_ =	sdelay $0x1  }
0x127: {  	v0 =	vadd.f32 v0, v3;
	_ =	sdelay $0x1  }
0x128: {  	[tilespmem:s13+$0x1B030] =	vst v0  }
0x129: {  	v0 =	vld [tilespmem:$0x1C040];
	_ =	sdelay $0x1  }
0x12a: {  	v2 =	vld [tilespmem:$0x1C0C0]  }
0x12b: {  	v3 =	vmul.f32 v8, v6;
	_ =	sdelay $0x1  }
0x12c: {  	v0 =	vmul.f32 v3, v0;
	_ =	sdelay $0x1  }
0x12d: {  	v0 =	vadd.f32 v0, v2;
	_ =	sdelay $0x1  }
0x12e: {  	[tilespmem:s13+$0x1B040] =	vst v0  }
0x12f: {  	v0 =	vld [tilespmem:$0x1C050];
	_ =	sdelay $0x1  }
0x130: {  	v2 =	vld [tilespmem:$0x1C0D0]  }
0x131: {  	v3 =	vmul.f32 v8, v5;
	_ =	sdelay $0x1  }
0x132: {  	v0 =	vmul.f32 v3, v0;
	_ =	sdelay $0x1  }
0x133: {  	v0 =	vadd.f32 v0, v2;
	_ =	sdelay $0x1  }
0x134: {  	[tilespmem:s13+$0x1B050] =	vst v0  }
0x135: {  	v0 =	vld [tilespmem:$0x1C060];
	_ =	sdelay $0x1  }
0x136: {  	v2 =	vld [tilespmem:$0x1C0E0]  }
0x137: {  	v1 =	vmul.f32 v8, v1;
	_ =	sdelay $0x1  }
0x138: {  	v0 =	vmul.f32 v1, v0;
	_ =	sdelay $0x1  }
0x139: {  	v0 =	vadd.f32 v0, v2;
	_ =	sdelay $0x1  }
0x13a: {  	[tilespmem:s13+$0x1B060] =	vst v0  }
0x13b: {  	v0 =	vld [tilespmem:$0x1C070];
	_ =	sdelay $0x1  }
0x13c: {  	v1 =	vld [tilespmem:$0x1C0F0]  }
0x13d: {  	v2 =	vmul.f32 v8, v7;
	_ =	sdelay $0x1  }
0x13e: {  	v0 =	vmul.f32 v2, v0;
	_ =	sdelay $0x1  }
0x13f: {  	v0 =	vadd.f32 v0, v1;
	_ =	sdelay $0x1  }
0x140: {  	s0 =	rddreg [dreg:$0xa];
	[tilespmem:s13+$0x1B070] =	vst v0  }
0x141: {  	[spmem:s0] =	stream.linear.scatter [tilespmem:s18], [sflag:$0xD], $0x1000, $0x38;
	[tilespmem:$0x1E040] =	vst v63  }
0x142: {  	_ =	swait.ge [sflag:s14], $0x1000  }
0x143: {  	[sflag:s14] =	ssyncset.done $0x0  }
0x144: {  	s24 =	simm.s32 $0x0;
	[sflag:s14] =	ssyncadd.s32 $0xFFFFF000  }
0x145: {  	[tilespmem:s18], [sflag:$0xD] =	stream.linear.gather [hbm4b:s10+s24], $0x1000, $0x38;
	[tilespmem:$0x1E040] =	vst v63  }
0x146: {  	_ =	swait.ge [sflag:s14], $0x1000  }
0x147: {  	[sflag:s14] =	ssyncset.done $0x0  }
0x148: {  	s5 =	simm.s32 $0x0;
	[sflag:s14] =	ssyncadd.s32 $0xFFFFF000  }
0x149: {  	v0 =	vld [tilespmem:s5+$0x1B000]  }
0x14a: {  	v1 =	vld [tilespmem:s5+$0x1B010];
	_ =	sdelay $0x1  }
0x14b: {  	v2 =	vld [tilespmem:s5+$0x1B020];
	_ =	sdelay $0x1  }
0x14c: {  	v3 =	vld [tilespmem:s5+$0x1B030]  }
0x14d: {  	v4 =	vadd.f32 v1, v0  }
0x14e: {  	v5 =	vld [tilespmem:s5+$0x1B040]  }
0x14f: {  	v4 =	vadd.f32 v2, v4  }
0x150: {  	v6 =	vld [tilespmem:s5+$0x1B050]  }
0x151: {  	v4 =	vadd.f32 v3, v4  }
0x152: {  	v7 =	vld [tilespmem:s5+$0x1B060]  }
0x153: {  	v4 =	vadd.f32 v5, v4  }
0x154: {  	v8 =	vld [tilespmem:s5+$0x1B070]  }
0x155: {  	v4 =	vadd.f32 v6, v4;
	_ =	sdelay $0x1  }
0x156: {  	v4 =	vadd.f32 v7, v4;
	_ =	sdelay $0x1  }
0x157: {  	v4 =	vadd.f32 v8, v4;
	_ =	sdelay $0x1  }
0x158: {  	(xrf2) =	vadd.scan.msk.f32 $0xffff, v4;
	_ =	sdelay $0x9  }
0x159: {  	v4, _, _ =	vpop (xrf2)  }
0x15a: {  	v4 =	vmul.f32 $7.812500000e-03, v4;
	_ =	sdelay $0x1  }
0x15b: {  	v4 =	vbroadcast v4, $0xF;
	_ =	sdelay $0x1  }
0x15c: {  	v0 =	vsub.f32 v0, v4;
	v1 =	vsub.f32 v1, v4;
	_ =	sdelay $0x1  }
0x15d: {  	v2 =	vsub.f32 v2, v4;
	v9 =	vmul.f32 v0, v0;
	v10 =	vmul.f32 v1, v1;
	_ =	sdelay $0x1  }
0x15e: {  	v3 =	vsub.f32 v3, v4;
	v11 =	vmul.f32 v2, v2;
	v9 =	vadd.f32 v10, v9;
	_ =	sdelay $0x1  }
0x15f: {  	v5 =	vsub.f32 v5, v4;
	v10 =	vmul.f32 v3, v3;
	v9 =	vadd.f32 v9, v11;
	_ =	sdelay $0x1  }
0x160: {  	v6 =	vsub.f32 v6, v4;
	v11 =	vmul.f32 v5, v5;
	v9 =	vadd.f32 v9, v10;
	_ =	sdelay $0x1  }
0x161: {  	v7 =	vsub.f32 v7, v4;
	v10 =	vmul.f32 v6, v6;
	v9 =	vadd.f32 v9, v11;
	_ =	sdelay $0x1  }
0x162: {  	v8 =	vsub.f32 v8, v4;
	v4 =	vmul.f32 v7, v7;
	v9 =	vadd.f32 v9, v10;
	_ =	sdelay $0x1  }
0x163: {  	v10 =	vmul.f32 v8, v8;
	v4 =	vadd.f32 v9, v4;
	_ =	sdelay $0x1  }
0x164: {  	v4 =	vadd.f32 v4, v10;
	_ =	sdelay $0x1  }
0x165: {  	(xrf2) =	vadd.scan.msk.f32 $0xffff, v4;
	_ =	sdelay $0x9  }
0x166: {  	v4, _, _ =	vpop (xrf2)  }
0x167: {  	v4 =	vmul.f32 $7.812500000e-03, v4;
	_ =	sdelay $0x1  }
0x168: {  	v4 =	vadd.f32 $9.999999740e-06, v4;
	_ =	sdelay $0x1  }
0x169: {  	v4 =	vbroadcast v4, $0xF;
	_ =	sdelay $0x1  }
0x16a: {  	v9 =	vshra.s32 v4, $0x1;
	v4 =	vmul.f32 $5.000000000e-01, v4  }
0x16b: {  	v9 =	vsub.s32 $0x5F3759DF, v9  }
0x16c: {  	v10 =	vmul.f32 v9, v4;
	_ =	sdelay $0x1  }
0x16d: {  	v10 =	vmul.f32 v9, v10;
	_ =	sdelay $0x1  }
0x16e: {  	v10 =	vsub.f32 $1.500000000e+00, v10;
	_ =	sdelay $0x1  }
0x16f: {  	v9 =	vmul.f32 v9, v10;
	_ =	sdelay $0x1  }
0x170: {  	v10 =	vmul.f32 v9, v4;
	_ =	sdelay $0x1  }
0x171: {  	v10 =	vmul.f32 v10, v9;
	_ =	sdelay $0x1  }
0x172: {  	v10 =	vsub.f32 $1.500000000e+00, v10;
	_ =	sdelay $0x1  }
0x173: {  	v9 =	vmul.f32 v10, v9;
	_ =	sdelay $0x1  }
0x174: {  	v10 =	vmul.f32 v9, v4;
	_ =	sdelay $0x1  }
0x175: {  	v10 =	vmul.f32 v10, v9;
	_ =	sdelay $0x1  }
0x176: {  	v10 =	vsub.f32 $1.500000000e+00, v10;
	_ =	sdelay $0x1  }
0x177: {  	v9 =	vmul.f32 v10, v9;
	_ =	sdelay $0x1  }
0x178: {  	v4 =	vmul.f32 v9, v4;
	_ =	sdelay $0x1  }
0x179: {  	v4 =	vmul.f32 v4, v9;
	_ =	sdelay $0x1  }
0x17a: {  	v4 =	vsub.f32 $1.500000000e+00, v4  }
0x17b: {  	v10 =	vld [tilespmem:$0x1C000]  }
0x17c: {  	v9 =	vmul.f32 v4, v9  }
0x17d: {  	v4 =	vld [tilespmem:$0x1C080]  }
0x17e: {  	v0 =	vmul.f32 v9, v0;
	_ =	sdelay $0x1  }
0x17f: {  	v0 =	vmul.f32 v0, v10;
	_ =	sdelay $0x1  }
0x180: {  	v0 =	vadd.f32 v0, v4;
	_ =	sdelay $0x1  }
0x181: {  	[tilespmem:s5+$0x1B000] =	vst v0  }
0x182: {  	v0 =	vld [tilespmem:$0x1C010];
	_ =	sdelay $0x1  }
0x183: {  	v4 =	vld [tilespmem:$0x1C090]  }
0x184: {  	v1 =	vmul.f32 v9, v1;
	_ =	sdelay $0x1  }
0x185: {  	v0 =	vmul.f32 v1, v0;
	_ =	sdelay $0x1  }
0x186: {  	v0 =	vadd.f32 v0, v4;
	_ =	sdelay $0x1  }
0x187: {  	[tilespmem:s5+$0x1B010] =	vst v0  }
0x188: {  	v0 =	vld [tilespmem:$0x1C020];
	_ =	sdelay $0x1  }
0x189: {  	v1 =	vld [tilespmem:$0x1C0A0]  }
0x18a: {  	v2 =	vmul.f32 v9, v2;
	_ =	sdelay $0x1  }
0x18b: {  	v0 =	vmul.f32 v2, v0;
	_ =	sdelay $0x1  }
0x18c: {  	v0 =	vadd.f32 v0, v1;
	_ =	sdelay $0x1  }
0x18d: {  	[tilespmem:s5+$0x1B020] =	vst v0  }
0x18e: {  	v0 =	vld [tilespmem:$0x1C030];
	_ =	sdelay $0x1  }
0x18f: {  	v1 =	vld [tilespmem:$0x1C0B0]  }
0x190: {  	v2 =	vmul.f32 v9, v3;
	_ =	sdelay $0x1  }
0x191: {  	v0 =	vmul.f32 v2, v0;
	_ =	sdelay $0x1  }
0x192: {  	v0 =	vadd.f32 v0, v1;
	_ =	sdelay $0x1  }
0x193: {  	[tilespmem:s5+$0x1B030] =	vst v0  }
0x194: {  	v0 =	vld [tilespmem:$0x1C040];
	_ =	sdelay $0x1  }
0x195: {  	v1 =	vld [tilespmem:$0x1C0C0]  }
0x196: {  	v2 =	vmul.f32 v9, v5;
	_ =	sdelay $0x1  }
0x197: {  	v0 =	vmul.f32 v2, v0;
	_ =	sdelay $0x1  }
0x198: {  	v0 =	vadd.f32 v0, v1;
	_ =	sdelay $0x1  }
0x199: {  	[tilespmem:s5+$0x1B040] =	vst v0  }
0x19a: {  	v0 =	vld [tilespmem:$0x1C050];
	_ =	sdelay $0x1  }
0x19b: {  	v1 =	vld [tilespmem:$0x1C0D0]  }
0x19c: {  	v2 =	vmul.f32 v9, v6;
	_ =	sdelay $0x1  }
0x19d: {  	v0 =	vmul.f32 v2, v0;
	_ =	sdelay $0x1  }
0x19e: {  	v0 =	vadd.f32 v0, v1;
	_ =	sdelay $0x1  }
0x19f: {  	[tilespmem:s5+$0x1B050] =	vst v0  }
0x1a0: {  	v0 =	vld [tilespmem:$0x1C060];
	_ =	sdelay $0x1  }
0x1a1: {  	v1 =	vld [tilespmem:$0x1C0E0]  }
0x1a2: {  	v2 =	vmul.f32 v9, v7;
	_ =	sdelay $0x1  }
0x1a3: {  	s13 =	simm.s32 $0x80;
	v3 =	vmul.f32 v2, v0  }
0x1a4: {  	v4 =	vld [tilespmem:s13+$0x1B020]  }
0x1a5: {  	v2 =	vld [tilespmem:s13+$0x1B000];
	v1 =	vadd.f32 v3, v1  }
0x1a6: {  	v3 =	vld [tilespmem:s13+$0x1B010]  }
0x1a7: {  	v0 =	vld [tilespmem:s13+$0x1B030];
	[tilespmem:s5+$0x1B060] =	vst v1  }
0x1a8: {  	v10 =	vld [tilespmem:$0x1C070];
	_ =	sdelay $0x1  }
0x1a9: {  	v7 =	vld [tilespmem:$0x1C0F0]  }
0x1aa: {  	v9 =	vmul.f32 v9, v8;
	v1 =	vld [tilespmem:s13+$0x1B060];
	v8 =	vadd.f32 v3, v2  }
0x1ab: {  	v6 =	vld [tilespmem:s13+$0x1B040]  }
0x1ac: {  	s0 =	simm.s32 $0x400;
	v5 =	vld [tilespmem:s13+$0x1B050];
	v8 =	vadd.f32 v4, v8;
	v9 =	vmul.f32 v9, v10  }
.LBB2_4:
0x1ad: {  	_ = 	snop  }
0x1ae: {  	p0 =	sne.s32 s0, $0x3E00;
	s2 =	smov.u32 s0;
	s0 =	sadd.s32 $0x200, s0;
	v8 =	vadd.f32 v0, v8;
	v7 =	vadd.f32 v9, v7  }
0x1af: {  	_ = 	snop  }
0x1b0: {  	v8 =	vadd.f32 v6, v8;
	[tilespmem:s5+$0x1B070] =	vst v7;
	s5 =	smov.u32 s13  }
0x1b1: {  	v7 =	vld [tilespmem:s5+$0x1B070]  }
0x1b2: {  	v8 =	vadd.f32 v5, v8;
	_ =	sdelay $0x1  }
0x1b3: {  	v8 =	vadd.f32 v1, v8;
	_ =	sdelay $0x1  }
0x1b4: {  	v8 =	vadd.f32 v7, v8;
	_ =	sdelay $0x1  }
0x1b5: {  	(xrf2) =	vadd.scan.msk.f32 $0xffff, v8;
	_ =	sdelay $0x9  }
0x1b6: {  	v8, _, _ =	vpop (xrf2)  }
0x1b7: {  	v8 =	vmul.f32 $7.812500000e-03, v8;
	_ =	sdelay $0x1  }
0x1b8: {  	v8 =	vbroadcast v8, $0xF;
	_ =	sdelay $0x1  }
0x1b9: {  	v2 =	vsub.f32 v2, v8;
	v3 =	vsub.f32 v3, v8  }
0x1ba: {  	v4 =	vsub.f32 v4, v8;
	v0 =	vsub.f32 v0, v8  }
0x1bb: {  	v6 =	vsub.f32 v6, v8;
	v9 =	vmul.f32 v2, v2;
	v10 =	vmul.f32 v3, v3  }
0x1bc: {  	v5 =	vsub.f32 v5, v8;
	v1 =	vsub.f32 v1, v8;
	v11 =	vmul.f32 v4, v4  }
0x1bd: {  	v7 =	vsub.f32 v7, v8;
	v8 =	vadd.f32 v10, v9  }
0x1be: {  	v9 =	vmul.f32 v0, v0  }
0x1bf: {  	v8 =	vadd.f32 v8, v11  }
0x1c0: {  	v10 =	vmul.f32 v6, v6  }
0x1c1: {  	v8 =	vadd.f32 v8, v9  }
0x1c2: {  	v9 =	vmul.f32 v5, v5  }
0x1c3: {  	v8 =	vadd.f32 v8, v10  }
0x1c4: {  	v10 =	vmul.f32 v1, v1  }
0x1c5: {  	v8 =	vadd.f32 v8, v9  }
0x1c6: {  	v9 =	vmul.f32 v7, v7  }
0x1c7: {  	v8 =	vadd.f32 v8, v10;
	_ =	sdelay $0x1  }
0x1c8: {  	v8 =	vadd.f32 v8, v9;
	_ =	sdelay $0x1  }
0x1c9: {  	(xrf2) =	vadd.scan.msk.f32 $0xffff, v8;
	_ =	sdelay $0x9  }
0x1ca: {  	v8, _, _ =	vpop (xrf2)  }
0x1cb: {  	v8 =	vmul.f32 $7.812500000e-03, v8;
	_ =	sdelay $0x1  }
0x1cc: {  	v8 =	vadd.f32 $9.999999740e-06, v8;
	_ =	sdelay $0x1  }
0x1cd: {  	v8 =	vbroadcast v8, $0xF;
	_ =	sdelay $0x1  }
0x1ce: {  	v9 =	vshra.s32 v8, $0x1;
	v8 =	vmul.f32 $5.000000000e-01, v8  }
0x1cf: {  	v9 =	vsub.s32 $0x5F3759DF, v9  }
0x1d0: {  	v10 =	vmul.f32 v9, v8;
	_ =	sdelay $0x1  }
0x1d1: {  	v10 =	vmul.f32 v9, v10;
	_ =	sdelay $0x1  }
0x1d2: {  	v10 =	vsub.f32 $1.500000000e+00, v10;
	_ =	sdelay $0x1  }
0x1d3: {  	v9 =	vmul.f32 v9, v10;
	_ =	sdelay $0x1  }
0x1d4: {  	v10 =	vmul.f32 v9, v8;
	_ =	sdelay $0x1  }
0x1d5: {  	v10 =	vmul.f32 v10, v9;
	_ =	sdelay $0x1  }
0x1d6: {  	v10 =	vsub.f32 $1.500000000e+00, v10;
	_ =	sdelay $0x1  }
0x1d7: {  	v9 =	vmul.f32 v10, v9;
	_ =	sdelay $0x1  }
0x1d8: {  	v10 =	vmul.f32 v9, v8;
	_ =	sdelay $0x1  }
0x1d9: {  	v10 =	vmul.f32 v10, v9;
	_ =	sdelay $0x1  }
0x1da: {  	v10 =	vsub.f32 $1.500000000e+00, v10;
	_ =	sdelay $0x1  }
0x1db: {  	v9 =	vmul.f32 v10, v9;
	_ =	sdelay $0x1  }
0x1dc: {  	v8 =	vmul.f32 v9, v8;
	_ =	sdelay $0x1  }
0x1dd: {  	v8 =	vmul.f32 v8, v9;
	_ =	sdelay $0x1  }
0x1de: {  	v8 =	vsub.f32 $1.500000000e+00, v8;
	v10 =	vld [tilespmem:$0x1C000];
	_ =	sdelay $0x1  }
0x1df: {  	v8 =	vmul.f32 v8, v9;
	v9 =	vld [tilespmem:$0x1C080];
	_ =	sdelay $0x1  }
0x1e0: {  	v2 =	vmul.f32 v8, v2;
	v3 =	vmul.f32 v8, v3  }
0x1e1: {  	v4 =	vmul.f32 v8, v4;
	v0 =	vmul.f32 v8, v0  }
0x1e2: {  	v6 =	vmul.f32 v8, v6;
	v2 =	vmul.f32 v2, v10  }
0x1e3: {  	v5 =	vmul.f32 v8, v5;
	v1 =	vmul.f32 v8, v1  }
0x1e4: {  	v2 =	vadd.f32 v2, v9;
	v9 =	vmul.f32 v8, v7;
	_ =	sdelay $0x1  }
0x1e5: {  	[tilespmem:s5+$0x1B000] =	vst v2  }
0x1e6: {  	v2 =	vld [tilespmem:$0x1C010]  }
0x1e7: {  	v7 =	vld [tilespmem:$0x1C090];
	_ =	sdelay $0x3  }
0x1e8: {  	v2 =	vmul.f32 v3, v2;
	_ =	sdelay $0x1  }
0x1e9: {  	v2 =	vadd.f32 v2, v7;
	_ =	sdelay $0x1  }
0x1ea: {  	[tilespmem:s5+$0x1B010] =	vst v2  }
0x1eb: {  	v2 =	vld [tilespmem:$0x1C020]  }
0x1ec: {  	v3 =	vld [tilespmem:$0x1C0A0];
	_ =	sdelay $0x3  }
0x1ed: {  	v2 =	vmul.f32 v4, v2;
	_ =	sdelay $0x1  }
0x1ee: {  	v2 =	vadd.f32 v2, v3;
	_ =	sdelay $0x1  }
0x1ef: {  	[tilespmem:s5+$0x1B020] =	vst v2  }
0x1f0: {  	v2 =	vld [tilespmem:$0x1C030]  }
0x1f1: {  	v3 =	vld [tilespmem:$0x1C0B0];
	_ =	sdelay $0x3  }
0x1f2: {  	v0 =	vmul.f32 v0, v2;
	_ =	sdelay $0x1  }
0x1f3: {  	v0 =	vadd.f32 v0, v3;
	_ =	sdelay $0x1  }
0x1f4: {  	[tilespmem:s5+$0x1B030] =	vst v0  }
0x1f5: {  	v0 =	vld [tilespmem:$0x1C040]  }
0x1f6: {  	v2 =	vld [tilespmem:$0x1C0C0];
	_ =	sdelay $0x3  }
0x1f7: {  	v0 =	vmul.f32 v6, v0;
	_ =	sdelay $0x1  }
0x1f8: {  	v0 =	vadd.f32 v0, v2;
	_ =	sdelay $0x1  }
0x1f9: {  	[tilespmem:s5+$0x1B040] =	vst v0  }
0x1fa: {  	v0 =	vld [tilespmem:$0x1C050]  }
0x1fb: {  	v2 =	vld [tilespmem:$0x1C0D0];
	_ =	sdelay $0x3  }
0x1fc: {  	v0 =	vmul.f32 v5, v0;
	_ =	sdelay $0x1  }
0x1fd: {  	v0 =	vadd.f32 v0, v2;
	_ =	sdelay $0x1  }
0x1fe: {  	[tilespmem:s5+$0x1B050] =	vst v0  }
0x1ff: {  	v0 =	vld [tilespmem:$0x1C060]  }
0x200: {  	v3 =	vld [tilespmem:$0x1C0E0];
	_ =	sdelay $0x3  }
0x201: {  	s13 =	sshra.s32 s2, $0x2;
	v1 =	vmul.f32 v1, v0  }
0x202: {  	v0 =	vld [tilespmem:s13+$0x1B030]  }
0x203: {  	v2 =	vld [tilespmem:s13+$0x1B000];
	v1 =	vadd.f32 v1, v3  }
0x204: {  	v3 =	vld [tilespmem:s13+$0x1B010]  }
0x205: {  	v4 =	vld [tilespmem:s13+$0x1B020];
	[tilespmem:s5+$0x1B060] =	vst v1  }
0x206: {  	v10 =	vld [tilespmem:$0x1C070]  }
.Ltmp1:
0x207: {  	v7 =	vld [tilespmem:$0x1C0F0];
	(pc) =	sbr.rel @p0 .LBB2_4-.Ltmp1, $3  }
0x208: {  	v1 =	vld [tilespmem:s13+$0x1B060]  }
0x209: {  	v6 =	vld [tilespmem:s13+$0x1B040];
	v8 =	vadd.f32 v3, v2;
	_ =	sdelay $0x1  }
0x20a: {  	v5 =	vld [tilespmem:s13+$0x1B050];
	v8 =	vadd.f32 v4, v8;
	v9 =	vmul.f32 v9, v10  }
0x20b: {  	_ = 	snop  }
0x20c: {  	v8 =	vadd.f32 v0, v8;
	v7 =	vadd.f32 v9, v7;
	_ =	sdelay $0x1  }
0x20d: {  	v8 =	vadd.f32 v6, v8;
	[tilespmem:s5+$0x1B070] =	vst v7  }
0x20e: {  	v7 =	vld [tilespmem:s13+$0x1B070]  }
0x20f: {  	v8 =	vadd.f32 v5, v8;
	_ =	sdelay $0x1  }
0x210: {  	v8 =	vadd.f32 v1, v8;
	_ =	sdelay $0x1  }
0x211: {  	v8 =	vadd.f32 v7, v8;
	_ =	sdelay $0x1  }
0x212: {  	(xrf2) =	vadd.scan.msk.f32 $0xffff, v8;
	_ =	sdelay $0x9  }
0x213: {  	v8, _, _ =	vpop (xrf2)  }
0x214: {  	v8 =	vmul.f32 $7.812500000e-03, v8;
	_ =	sdelay $0x1  }
0x215: {  	v8 =	vbroadcast v8, $0xF;
	_ =	sdelay $0x1  }
0x216: {  	v2 =	vsub.f32 v2, v8;
	v3 =	vsub.f32 v3, v8;
	_ =	sdelay $0x1  }
0x217: {  	v4 =	vsub.f32 v4, v8;
	v40 =	vmul.f32 v2, v2;
	v10 =	vmul.f32 v3, v3;
	_ =	sdelay $0x1  }
0x218: {  	v41 =	vsub.f32 v0, v8;
	v11 =	vmul.f32 v4, v4;
	v9 =	vadd.f32 v10, v40;
	_ =	sdelay $0x1  }
0x219: {  	v42 =	vsub.f32 v6, v8;
	v43 =	vmul.f32 v41, v41;
	v9 =	vadd.f32 v9, v11;
	_ =	sdelay $0x1  }
0x21a: {  	v44 =	vsub.f32 v5, v8;
	v45 =	vmul.f32 v42, v42;
	v9 =	vadd.f32 v9, v43;
	_ =	sdelay $0x1  }
0x21b: {  	v46 =	vsub.f32 v1, v8;
	v47 =	vmul.f32 v44, v44;
	v9 =	vadd.f32 v9, v45;
	_ =	sdelay $0x1  }
0x21c: {  	v7 =	vsub.f32 v7, v8;
	v48 =	vmul.f32 v46, v46;
	v9 =	vadd.f32 v9, v47;
	_ =	sdelay $0x1  }
0x21d: {  	v49 =	vmul.f32 v7, v7;
	v8 =	vadd.f32 v9, v48;
	_ =	sdelay $0x1  }
0x21e: {  	v8 =	vadd.f32 v8, v49;
	_ =	sdelay $0x1  }
0x21f: {  	(xrf2) =	vadd.scan.msk.f32 $0xffff, v8;
	_ =	sdelay $0x9  }
0x220: {  	v8, _, _ =	vpop (xrf2)  }
0x221: {  	v8 =	vmul.f32 $7.812500000e-03, v8;
	_ =	sdelay $0x1  }
0x222: {  	v8 =	vadd.f32 $9.999999740e-06, v8;
	_ =	sdelay $0x1  }
0x223: {  	v8 =	vbroadcast v8, $0xF;
	_ =	sdelay $0x1  }
0x224: {  	v50 =	vshra.s32 v8, $0x1;
	v8 =	vmul.f32 $5.000000000e-01, v8  }
0x225: {  	v9 =	vsub.s32 $0x5F3759DF, v50  }
0x226: {  	v51 =	vmul.f32 v9, v8;
	_ =	sdelay $0x1  }
0x227: {  	v10 =	vmul.f32 v9, v51;
	_ =	sdelay $0x1  }
0x228: {  	v10 =	vsub.f32 $1.500000000e+00, v10;
	_ =	sdelay $0x1  }
0x229: {  	v9 =	vmul.f32 v9, v10;
	_ =	sdelay $0x1  }
0x22a: {  	v10 =	vmul.f32 v9, v8;
	_ =	sdelay $0x1  }
0x22b: {  	v10 =	vmul.f32 v10, v9;
	_ =	sdelay $0x1  }
0x22c: {  	v10 =	vsub.f32 $1.500000000e+00, v10;
	_ =	sdelay $0x1  }
0x22d: {  	v9 =	vmul.f32 v10, v9;
	_ =	sdelay $0x1  }
0x22e: {  	v10 =	vmul.f32 v9, v8;
	_ =	sdelay $0x1  }
0x22f: {  	v10 =	vmul.f32 v10, v9;
	_ =	sdelay $0x1  }
0x230: {  	v10 =	vsub.f32 $1.500000000e+00, v10;
	_ =	sdelay $0x1  }
0x231: {  	v9 =	vmul.f32 v10, v9;
	_ =	sdelay $0x1  }
0x232: {  	v8 =	vmul.f32 v9, v8;
	_ =	sdelay $0x1  }
0x233: {  	v8 =	vmul.f32 v8, v9;
	_ =	sdelay $0x1  }
0x234: {  	v8 =	vsub.f32 $1.500000000e+00, v8  }
0x235: {  	v52 =	vld [tilespmem:$0x1C000]  }
0x236: {  	v8 =	vmul.f32 v8, v9  }
0x237: {  	v53 =	vld [tilespmem:$0x1C080]  }
0x238: {  	v2 =	vmul.f32 v8, v2;
	_ =	sdelay $0x1  }
0x239: {  	v2 =	vmul.f32 v2, v52;
	_ =	sdelay $0x1  }
0x23a: {  	v2 =	vadd.f32 v2, v53;
	_ =	sdelay $0x1  }
0x23b: {  	[tilespmem:s13+$0x1B000] =	vst v2  }
0x23c: {  	v2 =	vld [tilespmem:$0x1C010];
	_ =	sdelay $0x1  }
0x23d: {  	v54 =	vld [tilespmem:$0x1C090]  }
0x23e: {  	v3 =	vmul.f32 v8, v3;
	_ =	sdelay $0x1  }
0x23f: {  	v2 =	vmul.f32 v3, v2;
	_ =	sdelay $0x1  }
0x240: {  	v2 =	vadd.f32 v2, v54;
	_ =	sdelay $0x1  }
0x241: {  	[tilespmem:s13+$0x1B010] =	vst v2  }
0x242: {  	v2 =	vld [tilespmem:$0x1C020];
	_ =	sdelay $0x1  }
0x243: {  	v55 =	vld [tilespmem:$0x1C0A0]  }
0x244: {  	v4 =	vmul.f32 v8, v4;
	_ =	sdelay $0x1  }
0x245: {  	v2 =	vmul.f32 v4, v2;
	_ =	sdelay $0x1  }
0x246: {  	v2 =	vadd.f32 v2, v55;
	_ =	sdelay $0x1  }
0x247: {  	[tilespmem:s13+$0x1B020] =	vst v2  }
0x248: {  	v2 =	vld [tilespmem:$0x1C030];
	_ =	sdelay $0x1  }
0x249: {  	v56 =	vld [tilespmem:$0x1C0B0]  }
0x24a: {  	v0 =	vmul.f32 v8, v41;
	_ =	sdelay $0x1  }
0x24b: {  	v0 =	vmul.f32 v0, v2;
	_ =	sdelay $0x1  }
0x24c: {  	v0 =	vadd.f32 v0, v56;
	_ =	sdelay $0x1  }
0x24d: {  	[tilespmem:s13+$0x1B030] =	vst v0  }
0x24e: {  	v0 =	vld [tilespmem:$0x1C040];
	_ =	sdelay $0x1  }
0x24f: {  	v57 =	vld [tilespmem:$0x1C0C0]  }
0x250: {  	v58 =	vmul.f32 v8, v42;
	_ =	sdelay $0x1  }
0x251: {  	v0 =	vmul.f32 v58, v0;
	_ =	sdelay $0x1  }
0x252: {  	v0 =	vadd.f32 v0, v57;
	_ =	sdelay $0x1  }
0x253: {  	[tilespmem:s13+$0x1B040] =	vst v0  }
0x254: {  	v0 =	vld [tilespmem:$0x1C050];
	_ =	sdelay $0x1  }
0x255: {  	v59 =	vld [tilespmem:$0x1C0D0]  }
0x256: {  	v60 =	vmul.f32 v8, v44;
	_ =	sdelay $0x1  }
0x257: {  	v0 =	vmul.f32 v60, v0;
	_ =	sdelay $0x1  }
0x258: {  	v0 =	vadd.f32 v0, v59;
	_ =	sdelay $0x1  }
0x259: {  	[tilespmem:s13+$0x1B050] =	vst v0  }
0x25a: {  	v0 =	vld [tilespmem:$0x1C060];
	_ =	sdelay $0x1  }
0x25b: {  	v61 =	vld [tilespmem:$0x1C0E0]  }
0x25c: {  	v1 =	vmul.f32 v8, v46;
	_ =	sdelay $0x1  }
0x25d: {  	v0 =	vmul.f32 v1, v0;
	_ =	sdelay $0x1  }
0x25e: {  	v0 =	vadd.f32 v0, v61;
	_ =	sdelay $0x1  }
0x25f: {  	[tilespmem:s13+$0x1B060] =	vst v0  }
0x260: {  	v0 =	vld [tilespmem:$0x1C070];
	_ =	sdelay $0x1  }
0x261: {  	v62 =	vld [tilespmem:$0x1C0F0]  }
0x262: {  	v63 =	vmul.f32 v8, v7;
	_ =	sdelay $0x1  }
0x263: {  	v0 =	vmul.f32 v63, v0;
	_ =	sdelay $0x1  }
0x264: {  	v0 =	vadd.f32 v0, v62  }
0x265: {  	s2 =	simm.s32 $0x0;
	s0 =	simm.s32 $0x3000  }
0x266: {  	s16 =	simm.s32 $0x400;
	s17 =	simm.s32 $0x7000;
	s20 =	smul.u32 $0xAB, s2;
	[tilespmem:s13+$0x1B070] =	vst v0  }
0x267: {  	[spmem:s11] =	stream.linear.scatter [tilespmem:s18], [sflag:$0xD], $0x1000, $0x38;
	[tilespmem:$0x1E040] =	vst v63  }
0x268: {  	s21 =	simm.s32 $0x800;
	s7 =	simm.s32 $0xB000;
	_ =	swait.ge [sflag:s14], $0x1000  }
0x269: {  	p0 =	por $0x0, $0x0;
	s22 =	sshrl.u32 s20, $0xA;
	[sflag:s14] =	ssyncset.done $0x0  }
0x26a: {  	p1 =	por @!p0 $0x1, $0x1;
	s13 =	sand.u32 $0x3F, s22;
	[sflag:s14] =	ssyncadd.s32 $0xFFFFF000  }
0x26b: {  	p1 =	por p1, p0;
	s13 =	smul.u32 $0x6, s13;
	[bflag:$0x0] =	sbarrier.arrive $0xFFFF  }
0x26c: {  	[tilespmem:s0], [sflag:$0x1] =	stream.indirect.gather [spmem:s3], $0x80, s2, s19, $0xb8;
	[tilespmem:$0x1E040] =	vst v63  }
0x26d: {  	s5 =	simm.s32 $0xC00;
	s13 =	ssub.s32 $0x0, s13;
	s0 =	sadd.s32 $0x201, s20  }
0x26e: {  	s5 =	sand.u32 @!p0 $0xC00, s5;
	s13 =	sand.u32 $0xFF, s13;
	s15 =	sshrl.u32 s0, $0xA  }
0x26f: {  	[tilespmem:s17], [sflag:$0x2] =	stream.indirect.gather [spmem:s3], $0x80, s16, s19, $0xb8;
	[tilespmem:$0x1E040] =	vst v63  }
0x270: {  	s20 =	sadd.s32 $0x1, s13;
	s0 =	simm.s32 $0x1;
	s15 =	sand.u32 $0x3F, s15  }
0x271: {  	s16 =	sand.u32 $0x7C0000, s2;
	s17 =	simm.s32 @!p0 $0x180;
	s2 =	sand.u32 $0x180, s2  }
0x272: {  	s15 =	smul.u32 $0x6, s15;
	s17 =	sand.u32 @!p0 $0x7000, s17;
	s2 =	sor.u32 s6, s2  }
0x273: {  	[tilespmem:s7], [sflag:$0x3] =	stream.indirect.gather [spmem:s3], $0x80, s21, s19, $0xb8;
	[tilespmem:$0x1E040] =	vst v63  }
0x274: {  	s21 =	sshll.u32 s13, $0xE;
	s5 =	sor.u32 @!p0 s5, s17;
	s2 =	sshll.u32 s2, $0x4  }
0x275: {  	s13 =	sadd.s32 $0x7, s13;
	s15 =	ssub.s32 $0x3, s15;
	_ =	swait.ge [sflag:s20], $0x4000  }
0x276: {  	s22 =	sand.u32 $0xFF, s15;
	s15 =	simm.s32 @!p0 $0x60;
	[sflag:s20] =	ssyncset.done $0x0  }
0x277: {  	s23 =	rddreg [dreg:$0x7];
	s24 =	sand.u32 @!p0 $0x380, s15;
	[sflag:s20] =	ssyncadd.s32 $0xFFFFC000  }
0x278: {  	s15 =	sshll.u32 @!p0 s22, $0xE;
	s16 =	sadd.s32 s23, s16;
	s20 =	sadd.s32 @!p1 $0x7, s22  }
0x279: {  	s23 =	sor.u32 $0x3000, s21;
	s17 =	sadd.s32 @!p0 $0x1, s22;
	s2 =	sadd.s32 s2, s16  }
0x27a: {  	[hbm4b:s2+s4] =	stream.linear.scatter [tilespmem:s23], [sflag:s13], $0x4000, $0x38;
	[tilespmem:$0x1E040] =	vst v63  }
0x27b: {  	s15 =	sor.u32 @!p0 $0x3000, s15;
	s16 =	sor.u32 @!p0 s24, s5;
	_ =	swait.ge @!p1 [sflag:s20], $0x4000  }
0x27c: {  	s5 =	simm.s32 $0x10000;
	s2 =	simm.s32 $0x80;
	[sflag:s20] =	ssyncset.done @!p1 $0x0  }
0x27d: {  	s13 =	simm.s32 $0x1000;
	[sflag:s20] =	ssyncadd.s32 @!p1 $0xFFFFC000;
	s20 =	simm.s32 @!p0 $0x80  }
.LBB2_6:
0x27e: {  	[tilespmem:s15], [sflag:s17] =	stream.indirect.gather @!p0 [spmem:s3], $0x80, s16, s20, $0xb8;
	[tilespmem:$0x1E040] =	vst v63  }
0x27f: {  	s15 =	smov.u32 s0  }
0x280: {  	p0 =	sgt.u32 s0, $0x4C;
	s0 =	sadd.s32 $0x1, s0;
	s7 =	smul.u32 $0xAB, s15  }
0x281: {  	s20 =	sand.u32 $0x7C0000, s5;
	s9 =	sand.u32 $0x180, s2;
	s2 =	sadd.s32 $0x80, s2  }
0x282: {  	s5 =	sadd.s32 $0x10000, s5;
	p2 =	slt.u32 @!p0 s15, $0x3;
	s8 =	sshrl.u32 s7, $0xA  }
0x283: {  	p1 =	sne.s32 s0, $0x50;
	s16 =	sadd.s32 $0x201, s7;
	s17 =	sand.u32 $0x3F, s8  }
0x284: {  	s21 =	sand.u32 @!p0 $0xC00, s13;
	s16 =	sshrl.u32 s16, $0xA;
	s17 =	smul.u32 $0x6, s17  }
0x285: {  	s9 =	sor.u32 s6, s9;
	s13 =	sadd.s32 $0x400, s13;
	s16 =	sand.u32 $0x3F, s16  }
0x286: {  	p2 =	por p2, p0;
	s16 =	smul.u32 $0x6, s16;
	s17 =	ssub.s32 s15, s17  }
0x287: {  	s9 =	sshll.u32 s9, $0x4;
	s15 =	sadd.s32 $0x3, s15;
	s17 =	sand.u32 $0xFF, s17  }
0x288: {  	s16 =	ssub.s32 s15, s16;
	s22 =	sshll.u32 @!p0 s15, $0x7;
	s15 =	sshll.u32 @!p0 s15, $0x5  }
0x289: {  	s23 =	sadd.s32 $0x1, s17;
	s24 =	sshll.u32 s17, $0xE;
	s7 =	sand.u32 $0xFF, s16  }
0x28a: {  	s16 =	sand.u32 @!p0 $0x7000, s22;
	s17 =	sadd.s32 $0x7, s17;
	_ =	swait.ge [sflag:s23], $0x4000  }
0x28b: {  	s16 =	sor.u32 @!p0 s21, s16;
	s21 =	sadd.s32 @!p2 $0x7, s7;
	s22 =	rddreg [dreg:$0x7]  }
0x28c: {  	s24 =	sor.u32 $0x3000, s24;
	[sflag:s23] =	ssyncset.done $0x0;
	s20 =	sadd.s32 s22, s20  }
.Ltmp2:
0x28d: {  	[sflag:s23] =	ssyncadd.s32 $0xFFFFC000;
	s9 =	sadd.s32 s9, s20;
	(pc) =	sbr.rel @p1 .LBB2_6-.Ltmp2, $4  }
0x28e: {  	[hbm4b:s9+s4] =	stream.linear.scatter [tilespmem:s24], [sflag:s17], $0x4000, $0x38;
	[tilespmem:$0x1E040] =	vst v63  }
0x28f: {  	s8 =	sand.u32 @!p0 $0x380, s15;
	s23 =	sshll.u32 @!p0 s7, $0xE;
	_ =	swait.ge @!p2 [sflag:s21], $0x4000  }
0x290: {  	s16 =	sor.u32 @!p0 s8, s16;
	s15 =	sor.u32 @!p0 $0x3000, s23;
	[sflag:s21] =	ssyncset.done @!p2 $0x0  }
0x291: {  	s20 =	simm.s32 @!p0 $0x80;
	s17 =	sadd.s32 @!p0 $0x1, s7;
	[sflag:s21] =	ssyncadd.s32 @!p2 $0xFFFFC000  }
0x292: {  	[tilespmem:s15], [sflag:s17] =	stream.indirect.gather @!p0 [spmem:s3], $0x80, s16, s20, $0xb8;
	[tilespmem:$0x1E040] =	vst v63  }
0x293: {  	_ =	swait.ge [sflag:s25], $0x4000  }
0x294: {  	[sflag:s25] =	ssyncset.done $0x0  }
0x295: {  	[sflag:s25] =	ssyncadd.s32 $0xFFFFC000  }
0x296: {  	_ =	swait.ge [sflag:s26], $0x4000  }
0x297: {  	[sflag:s26] =	ssyncset.done $0x0  }
0x298: {  	[sflag:s26] =	ssyncadd.s32 $0xFFFFC000  }
0x299: {  	_ =	swait.ge [sflag:s28], $0x4000  }
0x29a: {  	[sflag:s28] =	ssyncset.done $0x0  }
0x29b: {  	[sflag:s28] =	ssyncadd.s32 $0xFFFFC000  }
0x29c: {  	_ =	swait.ge [sflag:s29], $0x4000  }
0x29d: {  	[sflag:s29] =	ssyncset.done $0x0  }
0x29e: {  	s1 =	sadd.s32 $0x1, s1;
	[sflag:s29] =	ssyncadd.s32 $0xFFFFC000  }
0x29f: {  	p0 =	sne.s32 s1, s12;
	_ =	swait.ge [sflag:s30], $0x4000  }
.Ltmp3:
0x2a0: {  	[sflag:s30] =	ssyncset.done $0x0;
	(pc) =	sbr.rel @p0 .LBB2_1-.Ltmp3, $4  }
0x2a1: {  	[sflag:s30] =	ssyncadd.s32 $0xFFFFC000  }
0x2a2: {  	_ =	swait.ge [sflag:s31], $0x4000  }
0x2a3: {  	[sflag:s31] =	ssyncset.done $0x0  }
0x2a4: {  	[sflag:s31] =	ssyncadd.s32 $0xFFFFC000  }
0x2a5: {  	_ =	sfence.sel $0x180000  }
0x2a6: {  	[bflag:$0x0] =	sbarrier.arrive $0xFFFF  }
0x2a7: {  	_ =	strace $0x90000047  }
0x2a8: {  	s0 =	stileid.u32;
	[bflag:$0x2] =	sbarrier.arrive $0xFFFF  }
0x2a9: {  	p0 =	sne.s32 s0, $0x0;
	s0 =	rddreg [dreg:$0x6]  }
0x2aa: {  	s0 =	sadd.s32 @!p0 $0x100000, s0  }
0x2ab: {  	[sflag:s0] =	ssyncadd.tile.s32 @!p0 $0x1;
	_ =	shalt  }
.Lfunc_end2:
_tile_overlayer_lowered:
.L_overlay_start_2:
0x2ac: {  	(tag) =	ssettag $0x2  }
0x2ad: {  	s0 =	rddreg [dreg:$0x0];
	s2 =	stileid.u32  }
0x2ae: {  	s1 =	rddreg [dreg:$0x1];
	p0 =	sne.s32 s2, $0x0  }
0x2af: {  	s3 =	rddreg [dreg:$0x2];
	[bflag:$0x3] =	sbarrier.arrive $0xFFFF;
	s2 =	simm.s32 @!p0 $0x1C0D  }
0x2b0: {  	[timem:s3], [sflag:s2] =	dma.local @!p0 [hbm:s0], s1  }
0x2b1: {  	s0 =	simm.s32 @!p0 $0xD  }
0x2b2: {  	_ =	swait.ge @!p0 [sflag:s0], s1  }
0x2b3: {  	s1 =	ssub.s32 @!p0 $0x0, s1;
	[sflag:s0] =	ssyncset.done @!p0 $0x0  }
0x2b4: {  	[sflag:s0] =	ssyncadd.s32 @!p0 s1  }
0x2b5: {  	[bflag:$0x3] =	sbarrier.arrive $0xFFFF  }
0x2b6: {  	_ =	shalt  }

</sc_bundles>
